<compile_context>
chip_gen: v7x
topology: tpu7x:2x2x1
jax: 0.10.2.dev20260603
libtpu: 0.0.44.dev20260713+nightly
codegen_flags: <defaults>
</compile_context>

<pallas_src>
import jax
import jax.numpy as jnp
from jax import lax
from jax.experimental import pallas as pl
from jax.experimental.pallas import tpu as pltpu
from jax.experimental.pallas import tpu_sc as plsc

_D = 64
_NC = 2
_NS = 16
_NW = _NC * _NS
_CHUNK = 800
_S = 200
_BPC = _CHUNK // _S


def _gather_body(x_hbm, table_hbm, out_hbm, idx_v, rows0, rows1,
                 gsem0, gsem1, osem0, osem1):
    wid = lax.axis_index("s") * _NC + lax.axis_index("c")
    n_total = x_hbm.shape[0]
    b_per_w = n_total // _NW
    n_chunks = b_per_w // _CHUNK
    n_pairs = n_chunks // 2
    base = wid * b_per_w

    rows = (rows0, rows1)
    gsem = (gsem0, gsem1)
    osem = (osem0, osem1)

    pltpu.sync_copy(x_hbm.at[pl.ds(base, b_per_w)], idx_v)

    def gather_of(g, b):
        return pltpu.make_async_copy(
            table_hbm.at[idx_v.at[pl.ds(g * _CHUNK, _CHUNK)]],
            rows[b], gsem[b])

    def stores_of(g, b):
        batch0 = (base + g * _CHUNK) // _S
        return [
            pltpu.make_async_copy(
                rows[b].at[pl.ds(j * _S, _S)], out_hbm.at[batch0 + j], osem[b])
            for j in range(_BPC)
        ]

    def start_stores(g, b):
        for c in stores_of(g, b):
            c.start()

    def wait_stores(g, b):
        for c in stores_of(g, b):
            c.wait()

    gather_of(0, 0).start()

    def pair(p, carry):
        g0 = 2 * p
        gather_of(g0, 0).wait()
        @pl.when(p > 0)
        def _():
            wait_stores(g0 - 1, 1)
        gather_of(g0 + 1, 1).start()
        start_stores(g0, 0)
        gather_of(g0 + 1, 1).wait()
        @pl.when(p < n_pairs - 1)
        def _():
            wait_stores(g0, 0)
            gather_of(g0 + 2, 0).start()
        start_stores(g0 + 1, 1)
        return carry

    lax.fori_loop(0, n_pairs, pair, 0)
    wait_stores(n_chunks - 2, 0)
    wait_stores(n_chunks - 1, 1)


def kernel(x, cache_geg):
    b, s = x.shape
    flat = x.reshape(-1)
    n_total = b * s
    b_per_w = n_total // _NW
    mesh = plsc.VectorSubcoreMesh(core_axis_name="c", subcore_axis_name="s")
    gather = pl.kernel(
        _gather_body,
        mesh=mesh,
        compiler_params=pltpu.CompilerParams(use_tc_tiling_on_sc=False),
        out_type=jax.ShapeDtypeStruct((b, s, _D), jnp.float32),
        scratch_types=[
            pltpu.VMEM((b_per_w,), jnp.int32),
            pltpu.VMEM((_CHUNK, _D), jnp.float32),
            pltpu.VMEM((_CHUNK, _D), jnp.float32),
            pltpu.SemaphoreType.DMA,
            pltpu.SemaphoreType.DMA,
            pltpu.SemaphoreType.DMA,
            pltpu.SemaphoreType.DMA,
        ],
    )
    return gather(flat, cache_geg)

# --- scband reference (transcript-rebuilt; emitter-appended) ---
"""Pipeline reference for scband-embedding-68968584839598 (READ-ONLY COPY).

The authoritative reference and input builder live on the scoring server;
editing this copy changes nothing except your own understanding.
"""

import jax, jax.numpy as jnp
import numpy as np

N_FREQS = 64
N_SIZE = 100000
ALPHA = 0.5


def carte_to_geg(x, N_freqs, alpha=0.5):
    n = x.shape[0]
    c = np.zeros((n, N_freqs + 1))
    c[:, 0] = 1.0
    c[:, 1] = 2.0 * alpha * x
    for i in range(2, N_freqs + 1):
        c[:, i] = ((2 * i - 2 + 2.0 * alpha) * x * c[:, i - 1] + (-i + 2 - 2.0 * alpha) * c[:, i - 2]) / i
    return c[:, 1:]


def setup_inputs(seed: int = 0) -> dict:
    key = jax.random.key(seed)
    xs = np.linspace(-0.5, 0.5, N_SIZE)
    cache_geg = jnp.asarray(carte_to_geg(xs, N_FREQS, ALPHA), dtype=jnp.float32)
    x = jax.random.randint(key, (4096, 200), 0, N_SIZE, dtype=jnp.int32)
    return {"x": x, "cache_geg": cache_geg}


def reference(x, cache_geg):
    # faithful translation of forward: gather rows of the precomputed
    # Gegenbauer polynomial table at integer indices x
    return jnp.take(cache_geg, x, axis=0)

if __name__ == "__main__":
    import jax
    _d = setup_inputs()
    print(jax.jit(kernel)(*tuple(_d.values())))

</pallas_src>

<mosaic_0001>
#map = affine_map<(d0, d1) -> (0)>
#map1 = affine_map<(d0, d1) -> (0, 0)>
#map2 = affine_map<(d0, d1) -> (0, 0, 0)>
module attributes {stable_mosaic.version = 14 : i64} {
  func.func @_gather_body(%arg0: i32, %arg1: i32, %arg2: memref<819200xi32, #tpu.memory_space<hbm>>, %arg3: memref<100000x64xf32, #tpu.memory_space<hbm>>, %arg4: memref<4096x200x64xf32, #tpu.memory_space<hbm>>, %arg5: memref<25600xi32, #tpu.memory_space<vmem>>, %arg6: memref<800x64xf32, #tpu.memory_space<vmem>>, %arg7: memref<800x64xf32, #tpu.memory_space<vmem>>, %arg8: memref<!tpu.dma_semaphore, #tpu.memory_space<semaphore_mem>>, %arg9: memref<!tpu.dma_semaphore, #tpu.memory_space<semaphore_mem>>, %arg10: memref<!tpu.dma_semaphore, #tpu.memory_space<semaphore_mem>>, %arg11: memref<!tpu.dma_semaphore, #tpu.memory_space<semaphore_mem>>) attributes {dimension_semantics = [#tpu.dimension_semantics<core_parallel>, #tpu.dimension_semantics<subcore_parallel>], iteration_bounds = array<i64: 2, 16>, scalar_prefetch = 0 : i64, scratch_operands = 7 : i64, tpu.core_type = #tpu.core_type<sc_vector_subcore>, window_params = [{transform_indices = #map}, {transform_indices = #map1}, {transform_indices = #map2}]} {
    %mul3A = arith.constant 2 : i32
    %mul3A_0 = arith.muli %arg1, %mul3A : i32
    %add3A = arith.addi %mul3A_0, %arg0 : i32
    %mul3A_1 = arith.constant 25600 : i32
    %mul3A_2 = arith.muli %add3A, %mul3A_1 : i32
    "tpu.region"() ({
      %run_scoped3A = tpu.sem_alloc : memref<!tpu.dma_semaphore, #tpu.memory_space<semaphore_mem>>
      %dma_start3A_183 = tpu.memref_slice %arg2[%mul3A_2] : memref<819200xi32, #tpu.memory_space<hbm>> -> memref<25600xi32, #tpu.memory_space<hbm>>
      %dma_start3A_184 = tpu.memref_slice %arg2[%mul3A_2] : memref<819200xi32, #tpu.memory_space<hbm>> -> memref<25600xi32, #tpu.memory_space<hbm>>
      tpu.enqueue_dma source(%dma_start3A_184 : memref<25600xi32, #tpu.memory_space<hbm>>) target(%arg5 : memref<25600xi32, #tpu.memory_space<vmem>>) target_semaphore(%run_scoped3A : memref<!tpu.dma_semaphore, #tpu.memory_space<semaphore_mem>>)
      %dma_wait3A_185 = tpu.memref_slice %arg2[%mul3A_2] : memref<819200xi32, #tpu.memory_space<hbm>> -> memref<25600xi32, #tpu.memory_space<hbm>>
      %dma_wait3A_186 = tpu.memref_slice %arg2[%mul3A_2] : memref<819200xi32, #tpu.memory_space<hbm>> -> memref<25600xi32, #tpu.memory_space<hbm>>
      tpu.wait_dma2 semaphore(%run_scoped3A : memref<!tpu.dma_semaphore, #tpu.memory_space<semaphore_mem>>) src(%dma_wait3A_186 : memref<25600xi32, #tpu.memory_space<hbm>>) dst(%arg5 : memref<25600xi32, #tpu.memory_space<vmem>>)
      tpu.yield
    }) : () -> ()
    %dma_start3A = arith.constant 0 : i32
    %dma_start3A_3 = tpu.memref_slice %arg5[%dma_start3A] : memref<25600xi32, #tpu.memory_space<vmem>> -> memref<800xi32, #tpu.memory_space<vmem>>
    %dma_start3A_4 = arith.constant 0 : i32
    %dma_start3A_5 = arith.constant 0 : i32
    %dma_start3A_6 = tpu.memref_slice %arg3[%dma_start3A_4, %dma_start3A_5] : memref<100000x64xf32, #tpu.memory_space<hbm>> -> memref<100000x64xf32, #tpu.memory_space<hbm>>
    tpu.enqueue_indirect_dma source(%dma_start3A_6 : memref<100000x64xf32, #tpu.memory_space<hbm>>) target(%arg6 : memref<800x64xf32, #tpu.memory_space<vmem>>) offsets(%dma_start3A_3 : memref<800xi32, #tpu.memory_space<vmem>>) semaphore(%arg8 : memref<!tpu.dma_semaphore, #tpu.memory_space<semaphore_mem>>)
    %scan3A = arith.constant 0 : i32
    %scan3A_7 = arith.constant 0 : i32
    %scan3A_8 = arith.constant 16 : i32
    %scan3A_9 = arith.addi %scan3A_7, %scan3A_8 : i32
    %scan3A_10 = arith.constant 1 : i32
    scf.for %scan3A_183 = %scan3A_7 to %scan3A_9 step %scan3A_10  : i32 {
      %mul3A_184 = arith.constant 2 : i32
      %mul3A_185 = arith.muli %mul3A_184, %scan3A_183 : i32
      %mul3A_186 = arith.constant 800 : i32
      %mul3A_187 = arith.muli %mul3A_185, %mul3A_186 : i32
      %dma_wait3A_188 = tpu.memref_slice %arg5[%mul3A_187] : memref<25600xi32, #tpu.memory_space<vmem>> -> memref<800xi32, #tpu.memory_space<vmem>>
      %dma_wait3A_189 = arith.constant 0 : i32
      %dma_wait3A_190 = arith.constant 0 : i32
      %dma_wait3A_191 = tpu.memref_slice %arg3[%dma_wait3A_189, %dma_wait3A_190] : memref<100000x64xf32, #tpu.memory_space<hbm>> -> memref<100000x64xf32, #tpu.memory_space<hbm>>
      tpu.wait_indirect_dma semaphore(%arg8 : memref<!tpu.dma_semaphore, #tpu.memory_space<semaphore_mem>>) src(%dma_wait3A_191 : memref<100000x64xf32, #tpu.memory_space<hbm>>) dst(%arg6 : memref<800x64xf32, #tpu.memory_space<vmem>>)
      %gt3A = arith.constant 0 : i32
      %gt3A_192 = arith.cmpi sgt, %scan3A_183, %gt3A : i32
      %convert_element_type3A = arith.extui %gt3A_192 : i1 to i32
      %cond3A = arith.constant 0 : i32
      %cond3A_193 = arith.cmpi ne, %convert_element_type3A, %cond3A : i32
      scf.if %cond3A_193 {
        %sub3A_398 = arith.constant 1 : i32
        %sub3A_399 = arith.subi %mul3A_185, %sub3A_398 : i32
        %mul3A_400 = arith.constant 800 : i32
        %mul3A_401 = arith.muli %sub3A_399, %mul3A_400 : i32
        %add3A_402 = arith.addi %mul3A_2, %mul3A_401 : i32
        %jit3A_403 = arith.constant 200 : i32
        %div3A_404 = arith.divsi %add3A_402, %jit3A_403 : i32
        %sign3A_405 = arith.constant 0 : i32
        %sign3A_406 = arith.cmpi sgt, %add3A_402, %sign3A_405 : i32
        %sign3A_407 = arith.extui %sign3A_406 : i1 to i32
        %sign3A_408 = arith.constant 0 : i32
        %sign3A_409 = arith.cmpi slt, %add3A_402, %sign3A_408 : i32
        %sign3A_410 = arith.extui %sign3A_409 : i1 to i32
        %sign3A_411 = arith.subi %sign3A_407, %sign3A_410 : i32
        %sign3A_412 = arith.constant 0 : i32
        %sign3A_413 = arith.cmpi sgt, %jit3A_403, %sign3A_412 : i32
        %sign3A_414 = arith.extui %sign3A_413 : i1 to i32
        %sign3A_415 = arith.constant 0 : i32
        %sign3A_416 = arith.cmpi slt, %jit3A_403, %sign3A_415 : i32
        %sign3A_417 = arith.extui %sign3A_416 : i1 to i32
        %sign3A_418 = arith.subi %sign3A_414, %sign3A_417 : i32
        %ne3A_419 = arith.cmpi ne, %sign3A_411, %sign3A_418 : i32
        %rem3A_420 = arith.remsi %add3A_402, %jit3A_403 : i32
        %ne3A_421 = arith.constant 0 : i32
        %ne3A_422 = arith.cmpi ne, %rem3A_420, %ne3A_421 : i32
        %and3A_423 = arith.andi %ne3A_419, %ne3A_422 : i1
        %sub3A_424 = arith.constant 1 : i32
        %sub3A_425 = arith.subi %div3A_404, %sub3A_424 : i32
        %select_n3A_426 = arith.select %and3A_423, %sub3A_425, %div3A_404 : i32
        %add3A_427 = arith.constant 0 : i32
        %add3A_428 = arith.addi %select_n3A_426, %add3A_427 : i32
        %add3A_429 = arith.constant 1 : i32
        %add3A_430 = arith.addi %select_n3A_426, %add3A_429 : i32
        %add3A_431 = arith.constant 2 : i32
        %add3A_432 = arith.addi %select_n3A_426, %add3A_431 : i32
        %add3A_433 = arith.constant 3 : i32
        %add3A_434 = arith.addi %select_n3A_426, %add3A_433 : i32
        %dma_wait3A_435 = arith.constant 0 : i32
        %dma_wait3A_436 = arith.constant 0 : i32
        %dma_wait3A_437 = tpu.memref_slice %arg7[%dma_wait3A_435, %dma_wait3A_436] : memref<800x64xf32, #tpu.memory_space<vmem>> -> memref<200x64xf32, #tpu.memory_space<vmem>>
        %dma_wait3A_438 = arith.constant 0 : i32
        %dma_wait3A_439 = arith.constant 0 : i32
        %dma_wait3A_440 = tpu.memref_slice %arg4[%add3A_428, %dma_wait3A_438, %dma_wait3A_439] : memref<4096x200x64xf32, #tpu.memory_space<hbm>> -> memref<1x200x64xf32, #tpu.memory_space<hbm>>
        %dma_wait3A_441 = tpu.memref_squeeze %dma_wait3A_440 : memref<1x200x64xf32, #tpu.memory_space<hbm>> -> memref<200x64xf32, #tpu.memory_space<hbm>>
        %dma_wait3A_442 = arith.constant 0 : i32
        %dma_wait3A_443 = arith.constant 0 : i32
        %dma_wait3A_444 = tpu.memref_slice %arg4[%add3A_428, %dma_wait3A_442, %dma_wait3A_443] : memref<4096x200x64xf32, #tpu.memory_space<hbm>> -> memref<1x200x64xf32, #tpu.memory_space<hbm>>
        %dma_wait3A_445 = tpu.memref_squeeze %dma_wait3A_444 : memref<1x200x64xf32, #tpu.memory_space<hbm>> -> memref<200x64xf32, #tpu.memory_space<hbm>>
        %dma_wait3A_446 = arith.constant 0 : i32
        %dma_wait3A_447 = arith.constant 0 : i32
        %dma_wait3A_448 = tpu.memref_slice %arg7[%dma_wait3A_446, %dma_wait3A_447] : memref<800x64xf32, #tpu.memory_space<vmem>> -> memref<200x64xf32, #tpu.memory_space<vmem>>
        tpu.wait_dma2 semaphore(%arg11 : memref<!tpu.dma_semaphore, #tpu.memory_space<semaphore_mem>>) src(%dma_wait3A_448 : memref<200x64xf32, #tpu.memory_space<vmem>>) dst(%dma_wait3A_445 : memref<200x64xf32, #tpu.memory_space<hbm>>)
        %dma_wait3A_449 = arith.constant 200 : i32
        %dma_wait3A_450 = arith.constant 0 : i32
        %dma_wait3A_451 = tpu.memref_slice %arg7[%dma_wait3A_449, %dma_wait3A_450] : memref<800x64xf32, #tpu.memory_space<vmem>> -> memref<200x64xf32, #tpu.memory_space<vmem>>
        %dma_wait3A_452 = arith.constant 0 : i32
        %dma_wait3A_453 = arith.constant 0 : i32
        %dma_wait3A_454 = tpu.memref_slice %arg4[%add3A_430, %dma_wait3A_452, %dma_wait3A_453] : memref<4096x200x64xf32, #tpu.memory_space<hbm>> -> memref<1x200x64xf32, #tpu.memory_space<hbm>>
        %dma_wait3A_455 = tpu.memref_squeeze %dma_wait3A_454 : memref<1x200x64xf32, #tpu.memory_space<hbm>> -> memref<200x64xf32, #tpu.memory_space<hbm>>
        %dma_wait3A_456 = arith.constant 0 : i32
        %dma_wait3A_457 = arith.constant 0 : i32
        %dma_wait3A_458 = tpu.memref_slice %arg4[%add3A_430, %dma_wait3A_456, %dma_wait3A_457] : memref<4096x200x64xf32, #tpu.memory_space<hbm>> -> memref<1x200x64xf32, #tpu.memory_space<hbm>>
        %dma_wait3A_459 = tpu.memref_squeeze %dma_wait3A_458 : memref<1x200x64xf32, #tpu.memory_space<hbm>> -> memref<200x64xf32, #tpu.memory_space<hbm>>
        %dma_wait3A_460 = arith.constant 200 : i32
        %dma_wait3A_461 = arith.constant 0 : i32
        %dma_wait3A_462 = tpu.memref_slice %arg7[%dma_wait3A_460, %dma_wait3A_461] : memref<800x64xf32, #tpu.memory_space<vmem>> -> memref<200x64xf32, #tpu.memory_space<vmem>>
        tpu.wait_dma2 semaphore(%arg11 : memref<!tpu.dma_semaphore, #tpu.memory_space<semaphore_mem>>) src(%dma_wait3A_462 : memref<200x64xf32, #tpu.memory_space<vmem>>) dst(%dma_wait3A_459 : memref<200x64xf32, #tpu.memory_space<hbm>>)
        %dma_wait3A_463 = arith.constant 400 : i32
        %dma_wait3A_464 = arith.constant 0 : i32
        %dma_wait3A_465 = tpu.memref_slice %arg7[%dma_wait3A_463, %dma_wait3A_464] : memref<800x64xf32, #tpu.memory_space<vmem>> -> memref<200x64xf32, #tpu.memory_space<vmem>>
        %dma_wait3A_466 = arith.constant 0 : i32
        %dma_wait3A_467 = arith.constant 0 : i32
        %dma_wait3A_468 = tpu.memref_slice %arg4[%add3A_432, %dma_wait3A_466, %dma_wait3A_467] : memref<4096x200x64xf32, #tpu.memory_space<hbm>> -> memref<1x200x64xf32, #tpu.memory_space<hbm>>
        %dma_wait3A_469 = tpu.memref_squeeze %dma_wait3A_468 : memref<1x200x64xf32, #tpu.memory_space<hbm>> -> memref<200x64xf32, #tpu.memory_space<hbm>>
        %dma_wait3A_470 = arith.constant 0 : i32
        %dma_wait3A_471 = arith.constant 0 : i32
        %dma_wait3A_472 = tpu.memref_slice %arg4[%add3A_432, %dma_wait3A_470, %dma_wait3A_471] : memref<4096x200x64xf32, #tpu.memory_space<hbm>> -> memref<1x200x64xf32, #tpu.memory_space<hbm>>
        %dma_wait3A_473 = tpu.memref_squeeze %dma_wait3A_472 : memref<1x200x64xf32, #tpu.memory_space<hbm>> -> memref<200x64xf32, #tpu.memory_space<hbm>>
        %dma_wait3A_474 = arith.constant 400 : i32
        %dma_wait3A_475 = arith.constant 0 : i32
        %dma_wait3A_476 = tpu.memref_slice %arg7[%dma_wait3A_474, %dma_wait3A_475] : memref<800x64xf32, #tpu.memory_space<vmem>> -> memref<200x64xf32, #tpu.memory_space<vmem>>
        tpu.wait_dma2 semaphore(%arg11 : memref<!tpu.dma_semaphore, #tpu.memory_space<semaphore_mem>>) src(%dma_wait3A_476 : memref<200x64xf32, #tpu.memory_space<vmem>>) dst(%dma_wait3A_473 : memref<200x64xf32, #tpu.memory_space<hbm>>)
        %dma_wait3A_477 = arith.constant 600 : i32
        %dma_wait3A_478 = arith.constant 0 : i32
        %dma_wait3A_479 = tpu.memref_slice %arg7[%dma_wait3A_477, %dma_wait3A_478] : memref<800x64xf32, #tpu.memory_space<vmem>> -> memref<200x64xf32, #tpu.memory_space<vmem>>
        %dma_wait3A_480 = arith.constant 0 : i32
        %dma_wait3A_481 = arith.constant 0 : i32
        %dma_wait3A_482 = tpu.memref_slice %arg4[%add3A_434, %dma_wait3A_480, %dma_wait3A_481] : memref<4096x200x64xf32, #tpu.memory_space<hbm>> -> memref<1x200x64xf32, #tpu.memory_space<hbm>>
        %dma_wait3A_483 = tpu.memref_squeeze %dma_wait3A_482 : memref<1x200x64xf32, #tpu.memory_space<hbm>> -> memref<200x64xf32, #tpu.memory_space<hbm>>
        %dma_wait3A_484 = arith.constant 0 : i32
        %dma_wait3A_485 = arith.constant 0 : i32
        %dma_wait3A_486 = tpu.memref_slice %arg4[%add3A_434, %dma_wait3A_484, %dma_wait3A_485] : memref<4096x200x64xf32, #tpu.memory_space<hbm>> -> memref<1x200x64xf32, #tpu.memory_space<hbm>>
        %dma_wait3A_487 = tpu.memref_squeeze %dma_wait3A_486 : memref<1x200x64xf32, #tpu.memory_space<hbm>> -> memref<200x64xf32, #tpu.memory_space<hbm>>
        %dma_wait3A_488 = arith.constant 600 : i32
        %dma_wait3A_489 = arith.constant 0 : i32
        %dma_wait3A_490 = tpu.memref_slice %arg7[%dma_wait3A_488, %dma_wait3A_489] : memref<800x64xf32, #tpu.memory_space<vmem>> -> memref<200x64xf32, #tpu.memory_space<vmem>>
        tpu.wait_dma2 semaphore(%arg11 : memref<!tpu.dma_semaphore, #tpu.memory_space<semaphore_mem>>) src(%dma_wait3A_490 : memref<200x64xf32, #tpu.memory_space<vmem>>) dst(%dma_wait3A_487 : memref<200x64xf32, #tpu.memory_space<hbm>>)
      } else {
      }
      %add3A_194 = arith.constant 1 : i32
      %add3A_195 = arith.addi %mul3A_185, %add3A_194 : i32
      %mul3A_196 = arith.constant 800 : i32
      %mul3A_197 = arith.muli %add3A_195, %mul3A_196 : i32
      %dma_start3A_198 = tpu.memref_slice %arg5[%mul3A_197] : memref<25600xi32, #tpu.memory_space<vmem>> -> memref<800xi32, #tpu.memory_space<vmem>>
      %dma_start3A_199 = arith.constant 0 : i32
      %dma_start3A_200 = arith.constant 0 : i32
      %dma_start3A_201 = tpu.memref_slice %arg3[%dma_start3A_199, %dma_start3A_200] : memref<100000x64xf32, #tpu.memory_space<hbm>> -> memref<100000x64xf32, #tpu.memory_space<hbm>>
      tpu.enqueue_indirect_dma source(%dma_start3A_201 : memref<100000x64xf32, #tpu.memory_space<hbm>>) target(%arg7 : memref<800x64xf32, #tpu.memory_space<vmem>>) offsets(%dma_start3A_198 : memref<800xi32, #tpu.memory_space<vmem>>) semaphore(%arg9 : memref<!tpu.dma_semaphore, #tpu.memory_space<semaphore_mem>>)
      %mul3A_202 = arith.constant 800 : i32
      %mul3A_203 = arith.muli %mul3A_185, %mul3A_202 : i32
      %add3A_204 = arith.addi %mul3A_2, %mul3A_203 : i32
      %jit3A_205 = arith.constant 200 : i32
      %div3A_206 = arith.divsi %add3A_204, %jit3A_205 : i32
      %sign3A_207 = arith.constant 0 : i32
      %sign3A_208 = arith.cmpi sgt, %add3A_204, %sign3A_207 : i32
      %sign3A_209 = arith.extui %sign3A_208 : i1 to i32
      %sign3A_210 = arith.constant 0 : i32
      %sign3A_211 = arith.cmpi slt, %add3A_204, %sign3A_210 : i32
      %sign3A_212 = arith.extui %sign3A_211 : i1 to i32
      %sign3A_213 = arith.subi %sign3A_209, %sign3A_212 : i32
      %sign3A_214 = arith.constant 0 : i32
      %sign3A_215 = arith.cmpi sgt, %jit3A_205, %sign3A_214 : i32
      %sign3A_216 = arith.extui %sign3A_215 : i1 to i32
      %sign3A_217 = arith.constant 0 : i32
      %sign3A_218 = arith.cmpi slt, %jit3A_205, %sign3A_217 : i32
      %sign3A_219 = arith.extui %sign3A_218 : i1 to i32
      %sign3A_220 = arith.subi %sign3A_216, %sign3A_219 : i32
      %ne3A_221 = arith.cmpi ne, %sign3A_213, %sign3A_220 : i32
      %rem3A_222 = arith.remsi %add3A_204, %jit3A_205 : i32
      %ne3A_223 = arith.constant 0 : i32
      %ne3A_224 = arith.cmpi ne, %rem3A_222, %ne3A_223 : i32
      %and3A_225 = arith.andi %ne3A_221, %ne3A_224 : i1
      %sub3A_226 = arith.constant 1 : i32
      %sub3A_227 = arith.subi %div3A_206, %sub3A_226 : i32
      %select_n3A_228 = arith.select %and3A_225, %sub3A_227, %div3A_206 : i32
      %add3A_229 = arith.constant 0 : i32
      %add3A_230 = arith.addi %select_n3A_228, %add3A_229 : i32
      %add3A_231 = arith.constant 1 : i32
      %add3A_232 = arith.addi %select_n3A_228, %add3A_231 : i32
      %add3A_233 = arith.constant 2 : i32
      %add3A_234 = arith.addi %select_n3A_228, %add3A_233 : i32
      %add3A_235 = arith.constant 3 : i32
      %add3A_236 = arith.addi %select_n3A_228, %add3A_235 : i32
      %dma_start3A_237 = arith.constant 0 : i32
      %dma_start3A_238 = arith.constant 0 : i32
      %dma_start3A_239 = tpu.memref_slice %arg6[%dma_start3A_237, %dma_start3A_238] : memref<800x64xf32, #tpu.memory_space<vmem>> -> memref<200x64xf32, #tpu.memory_space<vmem>>
      %dma_start3A_240 = arith.constant 0 : i32
      %dma_start3A_241 = arith.constant 0 : i32
      %dma_start3A_242 = tpu.memref_slice %arg4[%add3A_230, %dma_start3A_240, %dma_start3A_241] : memref<4096x200x64xf32, #tpu.memory_space<hbm>> -> memref<1x200x64xf32, #tpu.memory_space<hbm>>
      %dma_start3A_243 = tpu.memref_squeeze %dma_start3A_242 : memref<1x200x64xf32, #tpu.memory_space<hbm>> -> memref<200x64xf32, #tpu.memory_space<hbm>>
      %dma_start3A_244 = arith.constant 0 : i32
      %dma_start3A_245 = arith.constant 0 : i32
      %dma_start3A_246 = tpu.memref_slice %arg4[%add3A_230, %dma_start3A_244, %dma_start3A_245] : memref<4096x200x64xf32, #tpu.memory_space<hbm>> -> memref<1x200x64xf32, #tpu.memory_space<hbm>>
      %dma_start3A_247 = tpu.memref_squeeze %dma_start3A_246 : memref<1x200x64xf32, #tpu.memory_space<hbm>> -> memref<200x64xf32, #tpu.memory_space<hbm>>
      %dma_start3A_248 = arith.constant 0 : i32
      %dma_start3A_249 = arith.constant 0 : i32
      %dma_start3A_250 = tpu.memref_slice %arg6[%dma_start3A_248, %dma_start3A_249] : memref<800x64xf32, #tpu.memory_space<vmem>> -> memref<200x64xf32, #tpu.memory_space<vmem>>
      tpu.enqueue_dma source(%dma_start3A_250 : memref<200x64xf32, #tpu.memory_space<vmem>>) target(%dma_start3A_247 : memref<200x64xf32, #tpu.memory_space<hbm>>) target_semaphore(%arg10 : memref<!tpu.dma_semaphore, #tpu.memory_space<semaphore_mem>>)
      %dma_start3A_251 = arith.constant 200 : i32
      %dma_start3A_252 = arith.constant 0 : i32
      %dma_start3A_253 = tpu.memref_slice %arg6[%dma_start3A_251, %dma_start3A_252] : memref<800x64xf32, #tpu.memory_space<vmem>> -> memref<200x64xf32, #tpu.memory_space<vmem>>
      %dma_start3A_254 = arith.constant 0 : i32
      %dma_start3A_255 = arith.constant 0 : i32
      %dma_start3A_256 = tpu.memref_slice %arg4[%add3A_232, %dma_start3A_254, %dma_start3A_255] : memref<4096x200x64xf32, #tpu.memory_space<hbm>> -> memref<1x200x64xf32, #tpu.memory_space<hbm>>
      %dma_start3A_257 = tpu.memref_squeeze %dma_start3A_256 : memref<1x200x64xf32, #tpu.memory_space<hbm>> -> memref<200x64xf32, #tpu.memory_space<hbm>>
      %dma_start3A_258 = arith.constant 0 : i32
      %dma_start3A_259 = arith.constant 0 : i32
      %dma_start3A_260 = tpu.memref_slice %arg4[%add3A_232, %dma_start3A_258, %dma_start3A_259] : memref<4096x200x64xf32, #tpu.memory_space<hbm>> -> memref<1x200x64xf32, #tpu.memory_space<hbm>>
      %dma_start3A_261 = tpu.memref_squeeze %dma_start3A_260 : memref<1x200x64xf32, #tpu.memory_space<hbm>> -> memref<200x64xf32, #tpu.memory_space<hbm>>
      %dma_start3A_262 = arith.constant 200 : i32
      %dma_start3A_263 = arith.constant 0 : i32
      %dma_start3A_264 = tpu.memref_slice %arg6[%dma_start3A_262, %dma_start3A_263] : memref<800x64xf32, #tpu.memory_space<vmem>> -> memref<200x64xf32, #tpu.memory_space<vmem>>
      tpu.enqueue_dma source(%dma_start3A_264 : memref<200x64xf32, #tpu.memory_space<vmem>>) target(%dma_start3A_261 : memref<200x64xf32, #tpu.memory_space<hbm>>) target_semaphore(%arg10 : memref<!tpu.dma_semaphore, #tpu.memory_space<semaphore_mem>>)
      %dma_start3A_265 = arith.constant 400 : i32
      %dma_start3A_266 = arith.constant 0 : i32
      %dma_start3A_267 = tpu.memref_slice %arg6[%dma_start3A_265, %dma_start3A_266] : memref<800x64xf32, #tpu.memory_space<vmem>> -> memref<200x64xf32, #tpu.memory_space<vmem>>
      %dma_start3A_268 = arith.constant 0 : i32
      %dma_start3A_269 = arith.constant 0 : i32
      %dma_start3A_270 = tpu.memref_slice %arg4[%add3A_234, %dma_start3A_268, %dma_start3A_269] : memref<4096x200x64xf32, #tpu.memory_space<hbm>> -> memref<1x200x64xf32, #tpu.memory_space<hbm>>
      %dma_start3A_271 = tpu.memref_squeeze %dma_start3A_270 : memref<1x200x64xf32, #tpu.memory_space<hbm>> -> memref<200x64xf32, #tpu.memory_space<hbm>>
      %dma_start3A_272 = arith.constant 0 : i32
      %dma_start3A_273 = arith.constant 0 : i32
      %dma_start3A_274 = tpu.memref_slice %arg4[%add3A_234, %dma_start3A_272, %dma_start3A_273] : memref<4096x200x64xf32, #tpu.memory_space<hbm>> -> memref<1x200x64xf32, #tpu.memory_space<hbm>>
      %dma_start3A_275 = tpu.memref_squeeze %dma_start3A_274 : memref<1x200x64xf32, #tpu.memory_space<hbm>> -> memref<200x64xf32, #tpu.memory_space<hbm>>
      %dma_start3A_276 = arith.constant 400 : i32
      %dma_start3A_277 = arith.constant 0 : i32
      %dma_start3A_278 = tpu.memref_slice %arg6[%dma_start3A_276, %dma_start3A_277] : memref<800x64xf32, #tpu.memory_space<vmem>> -> memref<200x64xf32, #tpu.memory_space<vmem>>
      tpu.enqueue_dma source(%dma_start3A_278 : memref<200x64xf32, #tpu.memory_space<vmem>>) target(%dma_start3A_275 : memref<200x64xf32, #tpu.memory_space<hbm>>) target_semaphore(%arg10 : memref<!tpu.dma_semaphore, #tpu.memory_space<semaphore_mem>>)
      %dma_start3A_279 = arith.constant 600 : i32
      %dma_start3A_280 = arith.constant 0 : i32
      %dma_start3A_281 = tpu.memref_slice %arg6[%dma_start3A_279, %dma_start3A_280] : memref<800x64xf32, #tpu.memory_space<vmem>> -> memref<200x64xf32, #tpu.memory_space<vmem>>
      %dma_start3A_282 = arith.constant 0 : i32
      %dma_start3A_283 = arith.constant 0 : i32
      %dma_start3A_284 = tpu.memref_slice %arg4[%add3A_236, %dma_start3A_282, %dma_start3A_283] : memref<4096x200x64xf32, #tpu.memory_space<hbm>> -> memref<1x200x64xf32, #tpu.memory_space<hbm>>
      %dma_start3A_285 = tpu.memref_squeeze %dma_start3A_284 : memref<1x200x64xf32, #tpu.memory_space<hbm>> -> memref<200x64xf32, #tpu.memory_space<hbm>>
      %dma_start3A_286 = arith.constant 0 : i32
      %dma_start3A_287 = arith.constant 0 : i32
      %dma_start3A_288 = tpu.memref_slice %arg4[%add3A_236, %dma_start3A_286, %dma_start3A_287] : memref<4096x200x64xf32, #tpu.memory_space<hbm>> -> memref<1x200x64xf32, #tpu.memory_space<hbm>>
      %dma_start3A_289 = tpu.memref_squeeze %dma_start3A_288 : memref<1x200x64xf32, #tpu.memory_space<hbm>> -> memref<200x64xf32, #tpu.memory_space<hbm>>
      %dma_start3A_290 = arith.constant 600 : i32
      %dma_start3A_291 = arith.constant 0 : i32
      %dma_start3A_292 = tpu.memref_slice %arg6[%dma_start3A_290, %dma_start3A_291] : memref<800x64xf32, #tpu.memory_space<vmem>> -> memref<200x64xf32, #tpu.memory_space<vmem>>
      tpu.enqueue_dma source(%dma_start3A_292 : memref<200x64xf32, #tpu.memory_space<vmem>>) target(%dma_start3A_289 : memref<200x64xf32, #tpu.memory_space<hbm>>) target_semaphore(%arg10 : memref<!tpu.dma_semaphore, #tpu.memory_space<semaphore_mem>>)
      %add3A_293 = arith.constant 1 : i32
      %add3A_294 = arith.addi %mul3A_185, %add3A_293 : i32
      %mul3A_295 = arith.constant 800 : i32
      %mul3A_296 = arith.muli %add3A_294, %mul3A_295 : i32
      %dma_wait3A_297 = tpu.memref_slice %arg5[%mul3A_296] : memref<25600xi32, #tpu.memory_space<vmem>> -> memref<800xi32, #tpu.memory_space<vmem>>
      %dma_wait3A_298 = arith.constant 0 : i32
      %dma_wait3A_299 = arith.constant 0 : i32
      %dma_wait3A_300 = tpu.memref_slice %arg3[%dma_wait3A_298, %dma_wait3A_299] : memref<100000x64xf32, #tpu.memory_space<hbm>> -> memref<100000x64xf32, #tpu.memory_space<hbm>>
      tpu.wait_indirect_dma semaphore(%arg9 : memref<!tpu.dma_semaphore, #tpu.memory_space<semaphore_mem>>) src(%dma_wait3A_300 : memref<100000x64xf32, #tpu.memory_space<hbm>>) dst(%arg7 : memref<800x64xf32, #tpu.memory_space<vmem>>)
      %lt3A = arith.constant 15 : i32
      %lt3A_301 = arith.cmpi slt, %scan3A_183, %lt3A : i32
      %convert_element_type3A_302 = arith.extui %lt3A_301 : i1 to i32
      %cond3A_303 = arith.constant 0 : i32
      %cond3A_304 = arith.cmpi ne, %convert_element_type3A_302, %cond3A_303 : i32
      scf.if %cond3A_304 {
        %mul3A_398 = arith.constant 800 : i32
        %mul3A_399 = arith.muli %mul3A_185, %mul3A_398 : i32
        %add3A_400 = arith.addi %mul3A_2, %mul3A_399 : i32
        %jit3A_401 = arith.constant 200 : i32
        %div3A_402 = arith.divsi %add3A_400, %jit3A_401 : i32
        %sign3A_403 = arith.constant 0 : i32
        %sign3A_404 = arith.cmpi sgt, %add3A_400, %sign3A_403 : i32
        %sign3A_405 = arith.extui %sign3A_404 : i1 to i32
        %sign3A_406 = arith.constant 0 : i32
        %sign3A_407 = arith.cmpi slt, %add3A_400, %sign3A_406 : i32
        %sign3A_408 = arith.extui %sign3A_407 : i1 to i32
        %sign3A_409 = arith.subi %sign3A_405, %sign3A_408 : i32
        %sign3A_410 = arith.constant 0 : i32
        %sign3A_411 = arith.cmpi sgt, %jit3A_401, %sign3A_410 : i32
        %sign3A_412 = arith.extui %sign3A_411 : i1 to i32
        %sign3A_413 = arith.constant 0 : i32
        %sign3A_414 = arith.cmpi slt, %jit3A_401, %sign3A_413 : i32
        %sign3A_415 = arith.extui %sign3A_414 : i1 to i32
        %sign3A_416 = arith.subi %sign3A_412, %sign3A_415 : i32
        %ne3A_417 = arith.cmpi ne, %sign3A_409, %sign3A_416 : i32
        %rem3A_418 = arith.remsi %add3A_400, %jit3A_401 : i32
        %ne3A_419 = arith.constant 0 : i32
        %ne3A_420 = arith.cmpi ne, %rem3A_418, %ne3A_419 : i32
        %and3A_421 = arith.andi %ne3A_417, %ne3A_420 : i1
        %sub3A_422 = arith.constant 1 : i32
        %sub3A_423 = arith.subi %div3A_402, %sub3A_422 : i32
        %select_n3A_424 = arith.select %and3A_421, %sub3A_423, %div3A_402 : i32
        %add3A_425 = arith.constant 0 : i32
        %add3A_426 = arith.addi %select_n3A_424, %add3A_425 : i32
        %add3A_427 = arith.constant 1 : i32
        %add3A_428 = arith.addi %select_n3A_424, %add3A_427 : i32
        %add3A_429 = arith.constant 2 : i32
        %add3A_430 = arith.addi %select_n3A_424, %add3A_429 : i32
        %add3A_431 = arith.constant 3 : i32
        %add3A_432 = arith.addi %select_n3A_424, %add3A_431 : i32
        %dma_wait3A_433 = arith.constant 0 : i32
        %dma_wait3A_434 = arith.constant 0 : i32
        %dma_wait3A_435 = tpu.memref_slice %arg6[%dma_wait3A_433, %dma_wait3A_434] : memref<800x64xf32, #tpu.memory_space<vmem>> -> memref<200x64xf32, #tpu.memory_space<vmem>>
        %dma_wait3A_436 = arith.constant 0 : i32
        %dma_wait3A_437 = arith.constant 0 : i32
        %dma_wait3A_438 = tpu.memref_slice %arg4[%add3A_426, %dma_wait3A_436, %dma_wait3A_437] : memref<4096x200x64xf32, #tpu.memory_space<hbm>> -> memref<1x200x64xf32, #tpu.memory_space<hbm>>
        %dma_wait3A_439 = tpu.memref_squeeze %dma_wait3A_438 : memref<1x200x64xf32, #tpu.memory_space<hbm>> -> memref<200x64xf32, #tpu.memory_space<hbm>>
        %dma_wait3A_440 = arith.constant 0 : i32
        %dma_wait3A_441 = arith.constant 0 : i32
        %dma_wait3A_442 = tpu.memref_slice %arg4[%add3A_426, %dma_wait3A_440, %dma_wait3A_441] : memref<4096x200x64xf32, #tpu.memory_space<hbm>> -> memref<1x200x64xf32, #tpu.memory_space<hbm>>
        %dma_wait3A_443 = tpu.memref_squeeze %dma_wait3A_442 : memref<1x200x64xf32, #tpu.memory_space<hbm>> -> memref<200x64xf32, #tpu.memory_space<hbm>>
        %dma_wait3A_444 = arith.constant 0 : i32
        %dma_wait3A_445 = arith.constant 0 : i32
        %dma_wait3A_446 = tpu.memref_slice %arg6[%dma_wait3A_444, %dma_wait3A_445] : memref<800x64xf32, #tpu.memory_space<vmem>> -> memref<200x64xf32, #tpu.memory_space<vmem>>
        tpu.wait_dma2 semaphore(%arg10 : memref<!tpu.dma_semaphore, #tpu.memory_space<semaphore_mem>>) src(%dma_wait3A_446 : memref<200x64xf32, #tpu.memory_space<vmem>>) dst(%dma_wait3A_443 : memref<200x64xf32, #tpu.memory_space<hbm>>)
        %dma_wait3A_447 = arith.constant 200 : i32
        %dma_wait3A_448 = arith.constant 0 : i32
        %dma_wait3A_449 = tpu.memref_slice %arg6[%dma_wait3A_447, %dma_wait3A_448] : memref<800x64xf32, #tpu.memory_space<vmem>> -> memref<200x64xf32, #tpu.memory_space<vmem>>
        %dma_wait3A_450 = arith.constant 0 : i32
        %dma_wait3A_451 = arith.constant 0 : i32
        %dma_wait3A_452 = tpu.memref_slice %arg4[%add3A_428, %dma_wait3A_450, %dma_wait3A_451] : memref<4096x200x64xf32, #tpu.memory_space<hbm>> -> memref<1x200x64xf32, #tpu.memory_space<hbm>>
        %dma_wait3A_453 = tpu.memref_squeeze %dma_wait3A_452 : memref<1x200x64xf32, #tpu.memory_space<hbm>> -> memref<200x64xf32, #tpu.memory_space<hbm>>
        %dma_wait3A_454 = arith.constant 0 : i32
        %dma_wait3A_455 = arith.constant 0 : i32
        %dma_wait3A_456 = tpu.memref_slice %arg4[%add3A_428, %dma_wait3A_454, %dma_wait3A_455] : memref<4096x200x64xf32, #tpu.memory_space<hbm>> -> memref<1x200x64xf32, #tpu.memory_space<hbm>>
        %dma_wait3A_457 = tpu.memref_squeeze %dma_wait3A_456 : memref<1x200x64xf32, #tpu.memory_space<hbm>> -> memref<200x64xf32, #tpu.memory_space<hbm>>
        %dma_wait3A_458 = arith.constant 200 : i32
        %dma_wait3A_459 = arith.constant 0 : i32
        %dma_wait3A_460 = tpu.memref_slice %arg6[%dma_wait3A_458, %dma_wait3A_459] : memref<800x64xf32, #tpu.memory_space<vmem>> -> memref<200x64xf32, #tpu.memory_space<vmem>>
        tpu.wait_dma2 semaphore(%arg10 : memref<!tpu.dma_semaphore, #tpu.memory_space<semaphore_mem>>) src(%dma_wait3A_460 : memref<200x64xf32, #tpu.memory_space<vmem>>) dst(%dma_wait3A_457 : memref<200x64xf32, #tpu.memory_space<hbm>>)
        %dma_wait3A_461 = arith.constant 400 : i32
        %dma_wait3A_462 = arith.constant 0 : i32
        %dma_wait3A_463 = tpu.memref_slice %arg6[%dma_wait3A_461, %dma_wait3A_462] : memref<800x64xf32, #tpu.memory_space<vmem>> -> memref<200x64xf32, #tpu.memory_space<vmem>>
        %dma_wait3A_464 = arith.constant 0 : i32
        %dma_wait3A_465 = arith.constant 0 : i32
        %dma_wait3A_466 = tpu.memref_slice %arg4[%add3A_430, %dma_wait3A_464, %dma_wait3A_465] : memref<4096x200x64xf32, #tpu.memory_space<hbm>> -> memref<1x200x64xf32, #tpu.memory_space<hbm>>
        %dma_wait3A_467 = tpu.memref_squeeze %dma_wait3A_466 : memref<1x200x64xf32, #tpu.memory_space<hbm>> -> memref<200x64xf32, #tpu.memory_space<hbm>>
        %dma_wait3A_468 = arith.constant 0 : i32
        %dma_wait3A_469 = arith.constant 0 : i32
        %dma_wait3A_470 = tpu.memref_slice %arg4[%add3A_430, %dma_wait3A_468, %dma_wait3A_469] : memref<4096x200x64xf32, #tpu.memory_space<hbm>> -> memref<1x200x64xf32, #tpu.memory_space<hbm>>
        %dma_wait3A_471 = tpu.memref_squeeze %dma_wait3A_470 : memref<1x200x64xf32, #tpu.memory_space<hbm>> -> memref<200x64xf32, #tpu.memory_space<hbm>>
        %dma_wait3A_472 = arith.constant 400 : i32
        %dma_wait3A_473 = arith.constant 0 : i32
        %dma_wait3A_474 = tpu.memref_slice %arg6[%dma_wait3A_472, %dma_wait3A_473] : memref<800x64xf32, #tpu.memory_space<vmem>> -> memref<200x64xf32, #tpu.memory_space<vmem>>
        tpu.wait_dma2 semaphore(%arg10 : memref<!tpu.dma_semaphore, #tpu.memory_space<semaphore_mem>>) src(%dma_wait3A_474 : memref<200x64xf32, #tpu.memory_space<vmem>>) dst(%dma_wait3A_471 : memref<200x64xf32, #tpu.memory_space<hbm>>)
        %dma_wait3A_475 = arith.constant 600 : i32
        %dma_wait3A_476 = arith.constant 0 : i32
        %dma_wait3A_477 = tpu.memref_slice %arg6[%dma_wait3A_475, %dma_wait3A_476] : memref<800x64xf32, #tpu.memory_space<vmem>> -> memref<200x64xf32, #tpu.memory_space<vmem>>
        %dma_wait3A_478 = arith.constant 0 : i32
        %dma_wait3A_479 = arith.constant 0 : i32
        %dma_wait3A_480 = tpu.memref_slice %arg4[%add3A_432, %dma_wait3A_478, %dma_wait3A_479] : memref<4096x200x64xf32, #tpu.memory_space<hbm>> -> memref<1x200x64xf32, #tpu.memory_space<hbm>>
        %dma_wait3A_481 = tpu.memref_squeeze %dma_wait3A_480 : memref<1x200x64xf32, #tpu.memory_space<hbm>> -> memref<200x64xf32, #tpu.memory_space<hbm>>
        %dma_wait3A_482 = arith.constant 0 : i32
        %dma_wait3A_483 = arith.constant 0 : i32
        %dma_wait3A_484 = tpu.memref_slice %arg4[%add3A_432, %dma_wait3A_482, %dma_wait3A_483] : memref<4096x200x64xf32, #tpu.memory_space<hbm>> -> memref<1x200x64xf32, #tpu.memory_space<hbm>>
        %dma_wait3A_485 = tpu.memref_squeeze %dma_wait3A_484 : memref<1x200x64xf32, #tpu.memory_space<hbm>> -> memref<200x64xf32, #tpu.memory_space<hbm>>
        %dma_wait3A_486 = arith.constant 600 : i32
        %dma_wait3A_487 = arith.constant 0 : i32
        %dma_wait3A_488 = tpu.memref_slice %arg6[%dma_wait3A_486, %dma_wait3A_487] : memref<800x64xf32, #tpu.memory_space<vmem>> -> memref<200x64xf32, #tpu.memory_space<vmem>>
        tpu.wait_dma2 semaphore(%arg10 : memref<!tpu.dma_semaphore, #tpu.memory_space<semaphore_mem>>) src(%dma_wait3A_488 : memref<200x64xf32, #tpu.memory_space<vmem>>) dst(%dma_wait3A_485 : memref<200x64xf32, #tpu.memory_space<hbm>>)
        %add3A_489 = arith.constant 2 : i32
        %add3A_490 = arith.addi %mul3A_185, %add3A_489 : i32
        %mul3A_491 = arith.constant 800 : i32
        %mul3A_492 = arith.muli %add3A_490, %mul3A_491 : i32
        %dma_start3A_493 = tpu.memref_slice %arg5[%mul3A_492] : memref<25600xi32, #tpu.memory_space<vmem>> -> memref<800xi32, #tpu.memory_space<vmem>>
        %dma_start3A_494 = arith.constant 0 : i32
        %dma_start3A_495 = arith.constant 0 : i32
        %dma_start3A_496 = tpu.memref_slice %arg3[%dma_start3A_494, %dma_start3A_495] : memref<100000x64xf32, #tpu.memory_space<hbm>> -> memref<100000x64xf32, #tpu.memory_space<hbm>>
        tpu.enqueue_indirect_dma source(%dma_start3A_496 : memref<100000x64xf32, #tpu.memory_space<hbm>>) target(%arg6 : memref<800x64xf32, #tpu.memory_space<vmem>>) offsets(%dma_start3A_493 : memref<800xi32, #tpu.memory_space<vmem>>) semaphore(%arg8 : memref<!tpu.dma_semaphore, #tpu.memory_space<semaphore_mem>>)
      } else {
      }
      %add3A_305 = arith.constant 1 : i32
      %add3A_306 = arith.addi %mul3A_185, %add3A_305 : i32
      %mul3A_307 = arith.constant 800 : i32
      %mul3A_308 = arith.muli %add3A_306, %mul3A_307 : i32
      %add3A_309 = arith.addi %mul3A_2, %mul3A_308 : i32
      %jit3A_310 = arith.constant 200 : i32
      %div3A_311 = arith.divsi %add3A_309, %jit3A_310 : i32
      %sign3A_312 = arith.constant 0 : i32
      %sign3A_313 = arith.cmpi sgt, %add3A_309, %sign3A_312 : i32
      %sign3A_314 = arith.extui %sign3A_313 : i1 to i32
      %sign3A_315 = arith.constant 0 : i32
      %sign3A_316 = arith.cmpi slt, %add3A_309, %sign3A_315 : i32
      %sign3A_317 = arith.extui %sign3A_316 : i1 to i32
      %sign3A_318 = arith.subi %sign3A_314, %sign3A_317 : i32
      %sign3A_319 = arith.constant 0 : i32
      %sign3A_320 = arith.cmpi sgt, %jit3A_310, %sign3A_319 : i32
      %sign3A_321 = arith.extui %sign3A_320 : i1 to i32
      %sign3A_322 = arith.constant 0 : i32
      %sign3A_323 = arith.cmpi slt, %jit3A_310, %sign3A_322 : i32
      %sign3A_324 = arith.extui %sign3A_323 : i1 to i32
      %sign3A_325 = arith.subi %sign3A_321, %sign3A_324 : i32
      %ne3A_326 = arith.cmpi ne, %sign3A_318, %sign3A_325 : i32
      %rem3A_327 = arith.remsi %add3A_309, %jit3A_310 : i32
      %ne3A_328 = arith.constant 0 : i32
      %ne3A_329 = arith.cmpi ne, %rem3A_327, %ne3A_328 : i32
      %and3A_330 = arith.andi %ne3A_326, %ne3A_329 : i1
      %sub3A_331 = arith.constant 1 : i32
      %sub3A_332 = arith.subi %div3A_311, %sub3A_331 : i32
      %select_n3A_333 = arith.select %and3A_330, %sub3A_332, %div3A_311 : i32
      %add3A_334 = arith.constant 0 : i32
      %add3A_335 = arith.addi %select_n3A_333, %add3A_334 : i32
      %add3A_336 = arith.constant 1 : i32
      %add3A_337 = arith.addi %select_n3A_333, %add3A_336 : i32
      %add3A_338 = arith.constant 2 : i32
      %add3A_339 = arith.addi %select_n3A_333, %add3A_338 : i32
      %add3A_340 = arith.constant 3 : i32
      %add3A_341 = arith.addi %select_n3A_333, %add3A_340 : i32
      %dma_start3A_342 = arith.constant 0 : i32
      %dma_start3A_343 = arith.constant 0 : i32
      %dma_start3A_344 = tpu.memref_slice %arg7[%dma_start3A_342, %dma_start3A_343] : memref<800x64xf32, #tpu.memory_space<vmem>> -> memref<200x64xf32, #tpu.memory_space<vmem>>
      %dma_start3A_345 = arith.constant 0 : i32
      %dma_start3A_346 = arith.constant 0 : i32
      %dma_start3A_347 = tpu.memref_slice %arg4[%add3A_335, %dma_start3A_345, %dma_start3A_346] : memref<4096x200x64xf32, #tpu.memory_space<hbm>> -> memref<1x200x64xf32, #tpu.memory_space<hbm>>
      %dma_start3A_348 = tpu.memref_squeeze %dma_start3A_347 : memref<1x200x64xf32, #tpu.memory_space<hbm>> -> memref<200x64xf32, #tpu.memory_space<hbm>>
      %dma_start3A_349 = arith.constant 0 : i32
      %dma_start3A_350 = arith.constant 0 : i32
      %dma_start3A_351 = tpu.memref_slice %arg4[%add3A_335, %dma_start3A_349, %dma_start3A_350] : memref<4096x200x64xf32, #tpu.memory_space<hbm>> -> memref<1x200x64xf32, #tpu.memory_space<hbm>>
      %dma_start3A_352 = tpu.memref_squeeze %dma_start3A_351 : memref<1x200x64xf32, #tpu.memory_space<hbm>> -> memref<200x64xf32, #tpu.memory_space<hbm>>
      %dma_start3A_353 = arith.constant 0 : i32
      %dma_start3A_354 = arith.constant 0 : i32
      %dma_start3A_355 = tpu.memref_slice %arg7[%dma_start3A_353, %dma_start3A_354] : memref<800x64xf32, #tpu.memory_space<vmem>> -> memref<200x64xf32, #tpu.memory_space<vmem>>
      tpu.enqueue_dma source(%dma_start3A_355 : memref<200x64xf32, #tpu.memory_space<vmem>>) target(%dma_start3A_352 : memref<200x64xf32, #tpu.memory_space<hbm>>) target_semaphore(%arg11 : memref<!tpu.dma_semaphore, #tpu.memory_space<semaphore_mem>>)
      %dma_start3A_356 = arith.constant 200 : i32
      %dma_start3A_357 = arith.constant 0 : i32
      %dma_start3A_358 = tpu.memref_slice %arg7[%dma_start3A_356, %dma_start3A_357] : memref<800x64xf32, #tpu.memory_space<vmem>> -> memref<200x64xf32, #tpu.memory_space<vmem>>
      %dma_start3A_359 = arith.constant 0 : i32
      %dma_start3A_360 = arith.constant 0 : i32
      %dma_start3A_361 = tpu.memref_slice %arg4[%add3A_337, %dma_start3A_359, %dma_start3A_360] : memref<4096x200x64xf32, #tpu.memory_space<hbm>> -> memref<1x200x64xf32, #tpu.memory_space<hbm>>
      %dma_start3A_362 = tpu.memref_squeeze %dma_start3A_361 : memref<1x200x64xf32, #tpu.memory_space<hbm>> -> memref<200x64xf32, #tpu.memory_space<hbm>>
      %dma_start3A_363 = arith.constant 0 : i32
      %dma_start3A_364 = arith.constant 0 : i32
      %dma_start3A_365 = tpu.memref_slice %arg4[%add3A_337, %dma_start3A_363, %dma_start3A_364] : memref<4096x200x64xf32, #tpu.memory_space<hbm>> -> memref<1x200x64xf32, #tpu.memory_space<hbm>>
      %dma_start3A_366 = tpu.memref_squeeze %dma_start3A_365 : memref<1x200x64xf32, #tpu.memory_space<hbm>> -> memref<200x64xf32, #tpu.memory_space<hbm>>
      %dma_start3A_367 = arith.constant 200 : i32
      %dma_start3A_368 = arith.constant 0 : i32
      %dma_start3A_369 = tpu.memref_slice %arg7[%dma_start3A_367, %dma_start3A_368] : memref<800x64xf32, #tpu.memory_space<vmem>> -> memref<200x64xf32, #tpu.memory_space<vmem>>
      tpu.enqueue_dma source(%dma_start3A_369 : memref<200x64xf32, #tpu.memory_space<vmem>>) target(%dma_start3A_366 : memref<200x64xf32, #tpu.memory_space<hbm>>) target_semaphore(%arg11 : memref<!tpu.dma_semaphore, #tpu.memory_space<semaphore_mem>>)
      %dma_start3A_370 = arith.constant 400 : i32
      %dma_start3A_371 = arith.constant 0 : i32
      %dma_start3A_372 = tpu.memref_slice %arg7[%dma_start3A_370, %dma_start3A_371] : memref<800x64xf32, #tpu.memory_space<vmem>> -> memref<200x64xf32, #tpu.memory_space<vmem>>
      %dma_start3A_373 = arith.constant 0 : i32
      %dma_start3A_374 = arith.constant 0 : i32
      %dma_start3A_375 = tpu.memref_slice %arg4[%add3A_339, %dma_start3A_373, %dma_start3A_374] : memref<4096x200x64xf32, #tpu.memory_space<hbm>> -> memref<1x200x64xf32, #tpu.memory_space<hbm>>
      %dma_start3A_376 = tpu.memref_squeeze %dma_start3A_375 : memref<1x200x64xf32, #tpu.memory_space<hbm>> -> memref<200x64xf32, #tpu.memory_space<hbm>>
      %dma_start3A_377 = arith.constant 0 : i32
      %dma_start3A_378 = arith.constant 0 : i32
      %dma_start3A_379 = tpu.memref_slice %arg4[%add3A_339, %dma_start3A_377, %dma_start3A_378] : memref<4096x200x64xf32, #tpu.memory_space<hbm>> -> memref<1x200x64xf32, #tpu.memory_space<hbm>>
      %dma_start3A_380 = tpu.memref_squeeze %dma_start3A_379 : memref<1x200x64xf32, #tpu.memory_space<hbm>> -> memref<200x64xf32, #tpu.memory_space<hbm>>
      %dma_start3A_381 = arith.constant 400 : i32
      %dma_start3A_382 = arith.constant 0 : i32
      %dma_start3A_383 = tpu.memref_slice %arg7[%dma_start3A_381, %dma_start3A_382] : memref<800x64xf32, #tpu.memory_space<vmem>> -> memref<200x64xf32, #tpu.memory_space<vmem>>
      tpu.enqueue_dma source(%dma_start3A_383 : memref<200x64xf32, #tpu.memory_space<vmem>>) target(%dma_start3A_380 : memref<200x64xf32, #tpu.memory_space<hbm>>) target_semaphore(%arg11 : memref<!tpu.dma_semaphore, #tpu.memory_space<semaphore_mem>>)
      %dma_start3A_384 = arith.constant 600 : i32
      %dma_start3A_385 = arith.constant 0 : i32
      %dma_start3A_386 = tpu.memref_slice %arg7[%dma_start3A_384, %dma_start3A_385] : memref<800x64xf32, #tpu.memory_space<vmem>> -> memref<200x64xf32, #tpu.memory_space<vmem>>
      %dma_start3A_387 = arith.constant 0 : i32
      %dma_start3A_388 = arith.constant 0 : i32
      %dma_start3A_389 = tpu.memref_slice %arg4[%add3A_341, %dma_start3A_387, %dma_start3A_388] : memref<4096x200x64xf32, #tpu.memory_space<hbm>> -> memref<1x200x64xf32, #tpu.memory_space<hbm>>
      %dma_start3A_390 = tpu.memref_squeeze %dma_start3A_389 : memref<1x200x64xf32, #tpu.memory_space<hbm>> -> memref<200x64xf32, #tpu.memory_space<hbm>>
      %dma_start3A_391 = arith.constant 0 : i32
      %dma_start3A_392 = arith.constant 0 : i32
      %dma_start3A_393 = tpu.memref_slice %arg4[%add3A_341, %dma_start3A_391, %dma_start3A_392] : memref<4096x200x64xf32, #tpu.memory_space<hbm>> -> memref<1x200x64xf32, #tpu.memory_space<hbm>>
      %dma_start3A_394 = tpu.memref_squeeze %dma_start3A_393 : memref<1x200x64xf32, #tpu.memory_space<hbm>> -> memref<200x64xf32, #tpu.memory_space<hbm>>
      %dma_start3A_395 = arith.constant 600 : i32
      %dma_start3A_396 = arith.constant 0 : i32
      %dma_start3A_397 = tpu.memref_slice %arg7[%dma_start3A_395, %dma_start3A_396] : memref<800x64xf32, #tpu.memory_space<vmem>> -> memref<200x64xf32, #tpu.memory_space<vmem>>
      tpu.enqueue_dma source(%dma_start3A_397 : memref<200x64xf32, #tpu.memory_space<vmem>>) target(%dma_start3A_394 : memref<200x64xf32, #tpu.memory_space<hbm>>) target_semaphore(%arg11 : memref<!tpu.dma_semaphore, #tpu.memory_space<semaphore_mem>>)
    }
    %scan3A_11 = arith.constant 16 : i32
    %add3A_12 = arith.constant 24000 : i32
    %add3A_13 = arith.addi %mul3A_2, %add3A_12 : i32
    %jit3A = arith.constant 200 : i32
    %div3A = arith.divsi %add3A_13, %jit3A : i32
    %sign3A = arith.constant 0 : i32
    %sign3A_14 = arith.cmpi sgt, %add3A_13, %sign3A : i32
    %sign3A_15 = arith.extui %sign3A_14 : i1 to i32
    %sign3A_16 = arith.constant 0 : i32
    %sign3A_17 = arith.cmpi slt, %add3A_13, %sign3A_16 : i32
    %sign3A_18 = arith.extui %sign3A_17 : i1 to i32
    %sign3A_19 = arith.subi %sign3A_15, %sign3A_18 : i32
    %sign3A_20 = arith.constant 0 : i32
    %sign3A_21 = arith.cmpi sgt, %jit3A, %sign3A_20 : i32
    %sign3A_22 = arith.extui %sign3A_21 : i1 to i32
    %sign3A_23 = arith.constant 0 : i32
    %sign3A_24 = arith.cmpi slt, %jit3A, %sign3A_23 : i32
    %sign3A_25 = arith.extui %sign3A_24 : i1 to i32
    %sign3A_26 = arith.subi %sign3A_22, %sign3A_25 : i32
    %ne3A = arith.cmpi ne, %sign3A_19, %sign3A_26 : i32
    %rem3A = arith.remsi %add3A_13, %jit3A : i32
    %ne3A_27 = arith.constant 0 : i32
    %ne3A_28 = arith.cmpi ne, %rem3A, %ne3A_27 : i32
    %and3A = arith.andi %ne3A, %ne3A_28 : i1
    %sub3A = arith.constant 1 : i32
    %sub3A_29 = arith.subi %div3A, %sub3A : i32
    %select_n3A = arith.select %and3A, %sub3A_29, %div3A : i32
    %add3A_30 = arith.constant 0 : i32
    %add3A_31 = arith.addi %select_n3A, %add3A_30 : i32
    %add3A_32 = arith.constant 1 : i32
    %add3A_33 = arith.addi %select_n3A, %add3A_32 : i32
    %add3A_34 = arith.constant 2 : i32
    %add3A_35 = arith.addi %select_n3A, %add3A_34 : i32
    %add3A_36 = arith.constant 3 : i32
    %add3A_37 = arith.addi %select_n3A, %add3A_36 : i32
    %dma_wait3A = arith.constant 0 : i32
    %dma_wait3A_38 = arith.constant 0 : i32
    %dma_wait3A_39 = tpu.memref_slice %arg6[%dma_wait3A, %dma_wait3A_38] : memref<800x64xf32, #tpu.memory_space<vmem>> -> memref<200x64xf32, #tpu.memory_space<vmem>>
    %dma_wait3A_40 = arith.constant 0 : i32
    %dma_wait3A_41 = arith.constant 0 : i32
    %dma_wait3A_42 = tpu.memref_slice %arg4[%add3A_31, %dma_wait3A_40, %dma_wait3A_41] : memref<4096x200x64xf32, #tpu.memory_space<hbm>> -> memref<1x200x64xf32, #tpu.memory_space<hbm>>
    %dma_wait3A_43 = tpu.memref_squeeze %dma_wait3A_42 : memref<1x200x64xf32, #tpu.memory_space<hbm>> -> memref<200x64xf32, #tpu.memory_space<hbm>>
    %dma_wait3A_44 = arith.constant 0 : i32
    %dma_wait3A_45 = arith.constant 0 : i32
    %dma_wait3A_46 = tpu.memref_slice %arg4[%add3A_31, %dma_wait3A_44, %dma_wait3A_45] : memref<4096x200x64xf32, #tpu.memory_space<hbm>> -> memref<1x200x64xf32, #tpu.memory_space<hbm>>
    %dma_wait3A_47 = tpu.memref_squeeze %dma_wait3A_46 : memref<1x200x64xf32, #tpu.memory_space<hbm>> -> memref<200x64xf32, #tpu.memory_space<hbm>>
    %dma_wait3A_48 = arith.constant 0 : i32
    %dma_wait3A_49 = arith.constant 0 : i32
    %dma_wait3A_50 = tpu.memref_slice %arg6[%dma_wait3A_48, %dma_wait3A_49] : memref<800x64xf32, #tpu.memory_space<vmem>> -> memref<200x64xf32, #tpu.memory_space<vmem>>
    tpu.wait_dma2 semaphore(%arg10 : memref<!tpu.dma_semaphore, #tpu.memory_space<semaphore_mem>>) src(%dma_wait3A_50 : memref<200x64xf32, #tpu.memory_space<vmem>>) dst(%dma_wait3A_47 : memref<200x64xf32, #tpu.memory_space<hbm>>)
    %dma_wait3A_51 = arith.constant 200 : i32
    %dma_wait3A_52 = arith.constant 0 : i32
    %dma_wait3A_53 = tpu.memref_slice %arg6[%dma_wait3A_51, %dma_wait3A_52] : memref<800x64xf32, #tpu.memory_space<vmem>> -> memref<200x64xf32, #tpu.memory_space<vmem>>
    %dma_wait3A_54 = arith.constant 0 : i32
    %dma_wait3A_55 = arith.constant 0 : i32
    %dma_wait3A_56 = tpu.memref_slice %arg4[%add3A_33, %dma_wait3A_54, %dma_wait3A_55] : memref<4096x200x64xf32, #tpu.memory_space<hbm>> -> memref<1x200x64xf32, #tpu.memory_space<hbm>>
    %dma_wait3A_57 = tpu.memref_squeeze %dma_wait3A_56 : memref<1x200x64xf32, #tpu.memory_space<hbm>> -> memref<200x64xf32, #tpu.memory_space<hbm>>
    %dma_wait3A_58 = arith.constant 0 : i32
    %dma_wait3A_59 = arith.constant 0 : i32
    %dma_wait3A_60 = tpu.memref_slice %arg4[%add3A_33, %dma_wait3A_58, %dma_wait3A_59] : memref<4096x200x64xf32, #tpu.memory_space<hbm>> -> memref<1x200x64xf32, #tpu.memory_space<hbm>>
    %dma_wait3A_61 = tpu.memref_squeeze %dma_wait3A_60 : memref<1x200x64xf32, #tpu.memory_space<hbm>> -> memref<200x64xf32, #tpu.memory_space<hbm>>
    %dma_wait3A_62 = arith.constant 200 : i32
    %dma_wait3A_63 = arith.constant 0 : i32
    %dma_wait3A_64 = tpu.memref_slice %arg6[%dma_wait3A_62, %dma_wait3A_63] : memref<800x64xf32, #tpu.memory_space<vmem>> -> memref<200x64xf32, #tpu.memory_space<vmem>>
    tpu.wait_dma2 semaphore(%arg10 : memref<!tpu.dma_semaphore, #tpu.memory_space<semaphore_mem>>) src(%dma_wait3A_64 : memref<200x64xf32, #tpu.memory_space<vmem>>) dst(%dma_wait3A_61 : memref<200x64xf32, #tpu.memory_space<hbm>>)
    %dma_wait3A_65 = arith.constant 400 : i32
    %dma_wait3A_66 = arith.constant 0 : i32
    %dma_wait3A_67 = tpu.memref_slice %arg6[%dma_wait3A_65, %dma_wait3A_66] : memref<800x64xf32, #tpu.memory_space<vmem>> -> memref<200x64xf32, #tpu.memory_space<vmem>>
    %dma_wait3A_68 = arith.constant 0 : i32
    %dma_wait3A_69 = arith.constant 0 : i32
    %dma_wait3A_70 = tpu.memref_slice %arg4[%add3A_35, %dma_wait3A_68, %dma_wait3A_69] : memref<4096x200x64xf32, #tpu.memory_space<hbm>> -> memref<1x200x64xf32, #tpu.memory_space<hbm>>
    %dma_wait3A_71 = tpu.memref_squeeze %dma_wait3A_70 : memref<1x200x64xf32, #tpu.memory_space<hbm>> -> memref<200x64xf32, #tpu.memory_space<hbm>>
    %dma_wait3A_72 = arith.constant 0 : i32
    %dma_wait3A_73 = arith.constant 0 : i32
    %dma_wait3A_74 = tpu.memref_slice %arg4[%add3A_35, %dma_wait3A_72, %dma_wait3A_73] : memref<4096x200x64xf32, #tpu.memory_space<hbm>> -> memref<1x200x64xf32, #tpu.memory_space<hbm>>
    %dma_wait3A_75 = tpu.memref_squeeze %dma_wait3A_74 : memref<1x200x64xf32, #tpu.memory_space<hbm>> -> memref<200x64xf32, #tpu.memory_space<hbm>>
    %dma_wait3A_76 = arith.constant 400 : i32
    %dma_wait3A_77 = arith.constant 0 : i32
    %dma_wait3A_78 = tpu.memref_slice %arg6[%dma_wait3A_76, %dma_wait3A_77] : memref<800x64xf32, #tpu.memory_space<vmem>> -> memref<200x64xf32, #tpu.memory_space<vmem>>
    tpu.wait_dma2 semaphore(%arg10 : memref<!tpu.dma_semaphore, #tpu.memory_space<semaphore_mem>>) src(%dma_wait3A_78 : memref<200x64xf32, #tpu.memory_space<vmem>>) dst(%dma_wait3A_75 : memref<200x64xf32, #tpu.memory_space<hbm>>)
    %dma_wait3A_79 = arith.constant 600 : i32
    %dma_wait3A_80 = arith.constant 0 : i32
    %dma_wait3A_81 = tpu.memref_slice %arg6[%dma_wait3A_79, %dma_wait3A_80] : memref<800x64xf32, #tpu.memory_space<vmem>> -> memref<200x64xf32, #tpu.memory_space<vmem>>
    %dma_wait3A_82 = arith.constant 0 : i32
    %dma_wait3A_83 = arith.constant 0 : i32
    %dma_wait3A_84 = tpu.memref_slice %arg4[%add3A_37, %dma_wait3A_82, %dma_wait3A_83] : memref<4096x200x64xf32, #tpu.memory_space<hbm>> -> memref<1x200x64xf32, #tpu.memory_space<hbm>>
    %dma_wait3A_85 = tpu.memref_squeeze %dma_wait3A_84 : memref<1x200x64xf32, #tpu.memory_space<hbm>> -> memref<200x64xf32, #tpu.memory_space<hbm>>
    %dma_wait3A_86 = arith.constant 0 : i32
    %dma_wait3A_87 = arith.constant 0 : i32
    %dma_wait3A_88 = tpu.memref_slice %arg4[%add3A_37, %dma_wait3A_86, %dma_wait3A_87] : memref<4096x200x64xf32, #tpu.memory_space<hbm>> -> memref<1x200x64xf32, #tpu.memory_space<hbm>>
    %dma_wait3A_89 = tpu.memref_squeeze %dma_wait3A_88 : memref<1x200x64xf32, #tpu.memory_space<hbm>> -> memref<200x64xf32, #tpu.memory_space<hbm>>
    %dma_wait3A_90 = arith.constant 600 : i32
    %dma_wait3A_91 = arith.constant 0 : i32
    %dma_wait3A_92 = tpu.memref_slice %arg6[%dma_wait3A_90, %dma_wait3A_91] : memref<800x64xf32, #tpu.memory_space<vmem>> -> memref<200x64xf32, #tpu.memory_space<vmem>>
    tpu.wait_dma2 semaphore(%arg10 : memref<!tpu.dma_semaphore, #tpu.memory_space<semaphore_mem>>) src(%dma_wait3A_92 : memref<200x64xf32, #tpu.memory_space<vmem>>) dst(%dma_wait3A_89 : memref<200x64xf32, #tpu.memory_space<hbm>>)
    %add3A_93 = arith.constant 24800 : i32
    %add3A_94 = arith.addi %mul3A_2, %add3A_93 : i32
    %jit3A_95 = arith.constant 200 : i32
    %div3A_96 = arith.divsi %add3A_94, %jit3A_95 : i32
    %sign3A_97 = arith.constant 0 : i32
    %sign3A_98 = arith.cmpi sgt, %add3A_94, %sign3A_97 : i32
    %sign3A_99 = arith.extui %sign3A_98 : i1 to i32
    %sign3A_100 = arith.constant 0 : i32
    %sign3A_101 = arith.cmpi slt, %add3A_94, %sign3A_100 : i32
    %sign3A_102 = arith.extui %sign3A_101 : i1 to i32
    %sign3A_103 = arith.subi %sign3A_99, %sign3A_102 : i32
    %sign3A_104 = arith.constant 0 : i32
    %sign3A_105 = arith.cmpi sgt, %jit3A_95, %sign3A_104 : i32
    %sign3A_106 = arith.extui %sign3A_105 : i1 to i32
    %sign3A_107 = arith.constant 0 : i32
    %sign3A_108 = arith.cmpi slt, %jit3A_95, %sign3A_107 : i32
    %sign3A_109 = arith.extui %sign3A_108 : i1 to i32
    %sign3A_110 = arith.subi %sign3A_106, %sign3A_109 : i32
    %ne3A_111 = arith.cmpi ne, %sign3A_103, %sign3A_110 : i32
    %rem3A_112 = arith.remsi %add3A_94, %jit3A_95 : i32
    %ne3A_113 = arith.constant 0 : i32
    %ne3A_114 = arith.cmpi ne, %rem3A_112, %ne3A_113 : i32
    %and3A_115 = arith.andi %ne3A_111, %ne3A_114 : i1
    %sub3A_116 = arith.constant 1 : i32
    %sub3A_117 = arith.subi %div3A_96, %sub3A_116 : i32
    %select_n3A_118 = arith.select %and3A_115, %sub3A_117, %div3A_96 : i32
    %add3A_119 = arith.constant 0 : i32
    %add3A_120 = arith.addi %select_n3A_118, %add3A_119 : i32
    %add3A_121 = arith.constant 1 : i32
    %add3A_122 = arith.addi %select_n3A_118, %add3A_121 : i32
    %add3A_123 = arith.constant 2 : i32
    %add3A_124 = arith.addi %select_n3A_118, %add3A_123 : i32
    %add3A_125 = arith.constant 3 : i32
    %add3A_126 = arith.addi %select_n3A_118, %add3A_125 : i32
    %dma_wait3A_127 = arith.constant 0 : i32
    %dma_wait3A_128 = arith.constant 0 : i32
    %dma_wait3A_129 = tpu.memref_slice %arg7[%dma_wait3A_127, %dma_wait3A_128] : memref<800x64xf32, #tpu.memory_space<vmem>> -> memref<200x64xf32, #tpu.memory_space<vmem>>
    %dma_wait3A_130 = arith.constant 0 : i32
    %dma_wait3A_131 = arith.constant 0 : i32
    %dma_wait3A_132 = tpu.memref_slice %arg4[%add3A_120, %dma_wait3A_130, %dma_wait3A_131] : memref<4096x200x64xf32, #tpu.memory_space<hbm>> -> memref<1x200x64xf32, #tpu.memory_space<hbm>>
    %dma_wait3A_133 = tpu.memref_squeeze %dma_wait3A_132 : memref<1x200x64xf32, #tpu.memory_space<hbm>> -> memref<200x64xf32, #tpu.memory_space<hbm>>
    %dma_wait3A_134 = arith.constant 0 : i32
    %dma_wait3A_135 = arith.constant 0 : i32
    %dma_wait3A_136 = tpu.memref_slice %arg4[%add3A_120, %dma_wait3A_134, %dma_wait3A_135] : memref<4096x200x64xf32, #tpu.memory_space<hbm>> -> memref<1x200x64xf32, #tpu.memory_space<hbm>>
    %dma_wait3A_137 = tpu.memref_squeeze %dma_wait3A_136 : memref<1x200x64xf32, #tpu.memory_space<hbm>> -> memref<200x64xf32, #tpu.memory_space<hbm>>
    %dma_wait3A_138 = arith.constant 0 : i32
    %dma_wait3A_139 = arith.constant 0 : i32
    %dma_wait3A_140 = tpu.memref_slice %arg7[%dma_wait3A_138, %dma_wait3A_139] : memref<800x64xf32, #tpu.memory_space<vmem>> -> memref<200x64xf32, #tpu.memory_space<vmem>>
    tpu.wait_dma2 semaphore(%arg11 : memref<!tpu.dma_semaphore, #tpu.memory_space<semaphore_mem>>) src(%dma_wait3A_140 : memref<200x64xf32, #tpu.memory_space<vmem>>) dst(%dma_wait3A_137 : memref<200x64xf32, #tpu.memory_space<hbm>>)
    %dma_wait3A_141 = arith.constant 200 : i32
    %dma_wait3A_142 = arith.constant 0 : i32
    %dma_wait3A_143 = tpu.memref_slice %arg7[%dma_wait3A_141, %dma_wait3A_142] : memref<800x64xf32, #tpu.memory_space<vmem>> -> memref<200x64xf32, #tpu.memory_space<vmem>>
    %dma_wait3A_144 = arith.constant 0 : i32
    %dma_wait3A_145 = arith.constant 0 : i32
    %dma_wait3A_146 = tpu.memref_slice %arg4[%add3A_122, %dma_wait3A_144, %dma_wait3A_145] : memref<4096x200x64xf32, #tpu.memory_space<hbm>> -> memref<1x200x64xf32, #tpu.memory_space<hbm>>
    %dma_wait3A_147 = tpu.memref_squeeze %dma_wait3A_146 : memref<1x200x64xf32, #tpu.memory_space<hbm>> -> memref<200x64xf32, #tpu.memory_space<hbm>>
    %dma_wait3A_148 = arith.constant 0 : i32
    %dma_wait3A_149 = arith.constant 0 : i32
    %dma_wait3A_150 = tpu.memref_slice %arg4[%add3A_122, %dma_wait3A_148, %dma_wait3A_149] : memref<4096x200x64xf32, #tpu.memory_space<hbm>> -> memref<1x200x64xf32, #tpu.memory_space<hbm>>
    %dma_wait3A_151 = tpu.memref_squeeze %dma_wait3A_150 : memref<1x200x64xf32, #tpu.memory_space<hbm>> -> memref<200x64xf32, #tpu.memory_space<hbm>>
    %dma_wait3A_152 = arith.constant 200 : i32
    %dma_wait3A_153 = arith.constant 0 : i32
    %dma_wait3A_154 = tpu.memref_slice %arg7[%dma_wait3A_152, %dma_wait3A_153] : memref<800x64xf32, #tpu.memory_space<vmem>> -> memref<200x64xf32, #tpu.memory_space<vmem>>
    tpu.wait_dma2 semaphore(%arg11 : memref<!tpu.dma_semaphore, #tpu.memory_space<semaphore_mem>>) src(%dma_wait3A_154 : memref<200x64xf32, #tpu.memory_space<vmem>>) dst(%dma_wait3A_151 : memref<200x64xf32, #tpu.memory_space<hbm>>)
    %dma_wait3A_155 = arith.constant 400 : i32
    %dma_wait3A_156 = arith.constant 0 : i32
    %dma_wait3A_157 = tpu.memref_slice %arg7[%dma_wait3A_155, %dma_wait3A_156] : memref<800x64xf32, #tpu.memory_space<vmem>> -> memref<200x64xf32, #tpu.memory_space<vmem>>
    %dma_wait3A_158 = arith.constant 0 : i32
    %dma_wait3A_159 = arith.constant 0 : i32
    %dma_wait3A_160 = tpu.memref_slice %arg4[%add3A_124, %dma_wait3A_158, %dma_wait3A_159] : memref<4096x200x64xf32, #tpu.memory_space<hbm>> -> memref<1x200x64xf32, #tpu.memory_space<hbm>>
    %dma_wait3A_161 = tpu.memref_squeeze %dma_wait3A_160 : memref<1x200x64xf32, #tpu.memory_space<hbm>> -> memref<200x64xf32, #tpu.memory_space<hbm>>
    %dma_wait3A_162 = arith.constant 0 : i32
    %dma_wait3A_163 = arith.constant 0 : i32
    %dma_wait3A_164 = tpu.memref_slice %arg4[%add3A_124, %dma_wait3A_162, %dma_wait3A_163] : memref<4096x200x64xf32, #tpu.memory_space<hbm>> -> memref<1x200x64xf32, #tpu.memory_space<hbm>>
    %dma_wait3A_165 = tpu.memref_squeeze %dma_wait3A_164 : memref<1x200x64xf32, #tpu.memory_space<hbm>> -> memref<200x64xf32, #tpu.memory_space<hbm>>
    %dma_wait3A_166 = arith.constant 400 : i32
    %dma_wait3A_167 = arith.constant 0 : i32
    %dma_wait3A_168 = tpu.memref_slice %arg7[%dma_wait3A_166, %dma_wait3A_167] : memref<800x64xf32, #tpu.memory_space<vmem>> -> memref<200x64xf32, #tpu.memory_space<vmem>>
    tpu.wait_dma2 semaphore(%arg11 : memref<!tpu.dma_semaphore, #tpu.memory_space<semaphore_mem>>) src(%dma_wait3A_168 : memref<200x64xf32, #tpu.memory_space<vmem>>) dst(%dma_wait3A_165 : memref<200x64xf32, #tpu.memory_space<hbm>>)
    %dma_wait3A_169 = arith.constant 600 : i32
    %dma_wait3A_170 = arith.constant 0 : i32
    %dma_wait3A_171 = tpu.memref_slice %arg7[%dma_wait3A_169, %dma_wait3A_170] : memref<800x64xf32, #tpu.memory_space<vmem>> -> memref<200x64xf32, #tpu.memory_space<vmem>>
    %dma_wait3A_172 = arith.constant 0 : i32
    %dma_wait3A_173 = arith.constant 0 : i32
    %dma_wait3A_174 = tpu.memref_slice %arg4[%add3A_126, %dma_wait3A_172, %dma_wait3A_173] : memref<4096x200x64xf32, #tpu.memory_space<hbm>> -> memref<1x200x64xf32, #tpu.memory_space<hbm>>
    %dma_wait3A_175 = tpu.memref_squeeze %dma_wait3A_174 : memref<1x200x64xf32, #tpu.memory_space<hbm>> -> memref<200x64xf32, #tpu.memory_space<hbm>>
    %dma_wait3A_176 = arith.constant 0 : i32
    %dma_wait3A_177 = arith.constant 0 : i32
    %dma_wait3A_178 = tpu.memref_slice %arg4[%add3A_126, %dma_wait3A_176, %dma_wait3A_177] : memref<4096x200x64xf32, #tpu.memory_space<hbm>> -> memref<1x200x64xf32, #tpu.memory_space<hbm>>
    %dma_wait3A_179 = tpu.memref_squeeze %dma_wait3A_178 : memref<1x200x64xf32, #tpu.memory_space<hbm>> -> memref<200x64xf32, #tpu.memory_space<hbm>>
    %dma_wait3A_180 = arith.constant 600 : i32
    %dma_wait3A_181 = arith.constant 0 : i32
    %dma_wait3A_182 = tpu.memref_slice %arg7[%dma_wait3A_180, %dma_wait3A_181] : memref<800x64xf32, #tpu.memory_space<vmem>> -> memref<200x64xf32, #tpu.memory_space<vmem>>
    tpu.wait_dma2 semaphore(%arg11 : memref<!tpu.dma_semaphore, #tpu.memory_space<semaphore_mem>>) src(%dma_wait3A_182 : memref<200x64xf32, #tpu.memory_space<vmem>>) dst(%dma_wait3A_179 : memref<200x64xf32, #tpu.memory_space<hbm>>)
    return
  }
}

</mosaic_0001>

<sc_bundles>
// kernel: kernel.3.cloned.1.call-start
scs
__scs_entry_jumppad:
0x0: {  	(pc) =	sbr.rel $0x88, $3  }
0x1: {  	(tag) =	ssettag $0x0;
	lr =	simm.s32 $0x1  }
0x2: {  	[smem:$0x3F9F] =	sst lr;
	_ =	strace $0xD0000000  }
0x3: {  	_ = 	snop  }
0x4: {  	_ = 	snop  }
0x5: {  	_ = 	snop  }
0x6: {  	_ = 	snop  }
0x7: {  	_ = 	snop  }
__scs_overlays_trampoline_lowered:
0x8: {  	[smem:$0x3FAE] =	sst s0  }
0x9: {  	[smem:$0x3FAF] =	sst s1  }
0xa: {  	[smem:$0x3FB0] =	sst s2  }
0xb: {  	[smem:$0x3FB1] =	sst s3  }
0xc: {  	[smem:$0x3FB2] =	sst s4  }
0xd: {  	[smem:$0x3FB3] =	sst s5  }
0xe: {  	[smem:$0x3FB4] =	sst s6  }
0xf: {  	[smem:$0x3FB5] =	sst s7  }
0x10: {  	[smem:$0x3FB6] =	sst s8  }
0x11: {  	[smem:$0x3FB7] =	sst s9;
	s0 =	simm.s32 @!p0 $0x0  }
0x12: {  	s1 =	sld [smem:$0x3F9D];
	s0 =	simm.s32 @p0 $0x1  }
0x13: {  	[smem:$0x3FB8] =	sst s0;
	s0 =	simm.s32 @!p1 $0x0  }
0x14: {  	s2 =	sld [smem:$0x3F9C];
	s0 =	simm.s32 @p1 $0x1  }
0x15: {  	[smem:$0x3FB9] =	sst s0;
	s0 =	simm.s32 @!p2 $0x0  }
0x16: {  	s3 =	sld [smem:$0x3FDB];
	s0 =	simm.s32 @p2 $0x1  }
0x17: {  	s4 =	simm.s32 $0x1BF5;
	[smem:$0x3FBB] =	sst s0  }
0x18: {  	s0 =	sld [smem:$0x3F9E];
	_ =	swait.ge [sflag:s4], $0x0  }
0x19: {  	s7 =	sld [smem:$0x3F9F]  }
0x1a: {  	s8 =	sadd.s32 $0xFFFFE003, lr  }
0x1b: {  	s9 =	sadd.s32 $0xFFFFFEF7, lr;
	s5 =	simm.s32 $0xFFFFFFFF;
	p2 =	slt.u32 s8, $0xFFFFF086  }
0x1c: {  	p1 =	slt.u32 s9, $0xF7A;
	s5 =	simm.s32 @!p2 $0x0  }
0x1d: {  	s5 =	simm.s32 @p1 $0x1;
	p0 =	seq.s32 s7, s2  }
0x1e: {  	s7 =	smul.u32 @!p0 $0xF7A, s2;
	p2 =	seq.s32 @!p0 s5, $0x0  }
0x1f: {  	s9 =	smul.u32 $0xF7A, s1;
	s8 =	simm.s32 @!p0 $0x1BF5;
	p2 =	por !p2, p0  }
0x20: {  	[sflag:s8] =	ssyncset.s32 @!p0 $0xFFFFF086;
	s6 =	sadd.s32 @!p0 s3, s7;
	s7 =	simm.s32 @!p0 $0x108  }
0x21: {  	s3 =	sadd.s32 s3, s9;
	s6 =	sadd.s32 @!p0 $0x88, s6;
	s7 =	simm.s32 @p2 $0x1082  }
0x22: {  	[simem:s7], [sflag:s8] =	dma.local @!p0 [hbm:s6], $0xF7A  }
0x23: {  	s9 =	sor.u32 $0xD0000000, s2;
	s6 =	simm.s32 $0x108;
	_ =	swait.ge @!p0 [sflag:s8], $0x0  }
0x24: {  	s3 =	sadd.s32 $0x88, s3;
	s6 =	simm.s32 @!p1 $0x1082;
	[sflag:s4] =	ssyncset.s32 $0xFFFFF086  }
0x25: {  	[simem:s6], [sflag:s4] =	dma.local [hbm:s3], $0xF7A  }
0x26: {  	[smem:$0x3F9F] =	sst s1;
	(tag) =	ssettag s2;
	_ =	strace s9  }
0x27: {  	s1 =	sld [smem:$0x3FAF]  }
0x28: {  	s2 =	sld [smem:$0x3FB0]  }
0x29: {  	s4 =	sld [smem:$0x3FB2]  }
0x2a: {  	p0 =	seq.s32 s5, $0x0;
	s5 =	sld [smem:$0x3FB3]  }
0x2b: {  	s6 =	sld [smem:$0x3FB4]  }
0x2c: {  	s7 =	sld [smem:$0x3FB5]  }
0x2d: {  	s3 =	simm.s32 $0x108;
	s8 =	sld [smem:$0x3FB6]  }
0x2e: {  	s3 =	simm.s32 @!p0 $0x1082;
	s9 =	sld [smem:$0x3FB7]  }
0x2f: {  	lr =	sadd.s32 s0, s3;
	s0 =	sld [smem:$0x3FAE]  }
0x30: {  	s3 =	sld [smem:$0x3FB1]  }
0x31: {  	[smem:$0x3FBA] =	sst s10  }
0x32: {  	s10 =	sld [smem:$0x3FB8];
	_ =	sdelay $0x3  }
0x33: {  	p0 =	seq.s32 s10, $0x1;
	s10 =	sld [smem:$0x3FBA];
	_ =	sdelay $0x3  }
0x34: {  	[smem:$0x3FBA] =	sst s10  }
0x35: {  	s10 =	sld [smem:$0x3FB9];
	_ =	sdelay $0x3  }
0x36: {  	p1 =	seq.s32 s10, $0x1;
	s10 =	sld [smem:$0x3FBA];
	_ =	sdelay $0x3  }
0x37: {  	[smem:$0x3FBA] =	sst s10  }
0x38: {  	s10 =	sld [smem:$0x3FBB]  }
0x39: {  	_ = 	snop;
	(pc) =	sbr.ind lr, $3  }
0x3a: {  	_ = 	snop  }
0x3b: {  	_ = 	snop  }
0x3c: {  	p2 =	seq.s32 s10, $0x1;
	s10 =	sld [smem:$0x3FBA]  }
0x3d: {  	_ =	shalt  }
0x3e: {  	_ =	shalt  }
0x3f: {  	_ =	shalt  }
0x40: {  	_ =	shalt  }
0x41: {  	_ =	shalt  }
0x42: {  	_ =	shalt  }
0x43: {  	_ =	shalt  }
0x44: {  	_ =	shalt  }
0x45: {  	_ =	shalt  }
0x46: {  	_ =	shalt  }
0x47: {  	_ =	shalt  }
0x48: {  	_ =	shalt  }
0x49: {  	_ =	shalt  }
0x4a: {  	_ =	shalt  }
0x4b: {  	_ =	shalt  }
0x4c: {  	_ =	shalt  }
0x4d: {  	_ =	shalt  }
0x4e: {  	_ =	shalt  }
0x4f: {  	_ =	shalt  }
0x50: {  	_ =	shalt  }
0x51: {  	_ =	shalt  }
0x52: {  	_ =	shalt  }
0x53: {  	_ =	shalt  }
0x54: {  	_ =	shalt  }
0x55: {  	_ =	shalt  }
0x56: {  	_ =	shalt  }
0x57: {  	_ =	shalt  }
0x58: {  	_ =	shalt  }
0x59: {  	_ =	shalt  }
0x5a: {  	_ =	shalt  }
0x5b: {  	_ =	shalt  }
0x5c: {  	_ =	shalt  }
0x5d: {  	_ =	shalt  }
0x5e: {  	_ =	shalt  }
0x5f: {  	_ =	shalt  }
0x60: {  	_ =	shalt  }
0x61: {  	_ =	shalt  }
0x62: {  	_ =	shalt  }
0x63: {  	_ =	shalt  }
0x64: {  	_ =	shalt  }
0x65: {  	_ =	shalt  }
0x66: {  	_ =	shalt  }
0x67: {  	_ =	shalt  }
0x68: {  	_ =	shalt  }
0x69: {  	_ =	shalt  }
0x6a: {  	_ =	shalt  }
0x6b: {  	_ =	shalt  }
0x6c: {  	_ =	shalt  }
0x6d: {  	_ =	shalt  }
0x6e: {  	_ =	shalt  }
0x6f: {  	_ =	shalt  }
0x70: {  	_ =	shalt  }
0x71: {  	_ =	shalt  }
0x72: {  	_ =	shalt  }
0x73: {  	_ =	shalt  }
0x74: {  	_ =	shalt  }
0x75: {  	_ =	shalt  }
0x76: {  	_ =	shalt  }
0x77: {  	_ =	shalt  }
0x78: {  	_ =	shalt  }
0x79: {  	_ =	shalt  }
0x7a: {  	_ =	shalt  }
0x7b: {  	_ =	shalt  }
0x7c: {  	_ =	shalt  }
0x7d: {  	_ =	shalt  }
0x7e: {  	_ =	shalt  }
0x7f: {  	_ =	shalt  }
0x80: {  	_ =	shalt  }
0x81: {  	_ =	shalt  }
0x82: {  	_ =	shalt  }
0x83: {  	_ =	shalt  }
0x84: {  	_ =	shalt  }
0x85: {  	_ =	shalt  }
0x86: {  	_ =	shalt  }
0x87: {  	_ =	shalt  }
.Lfunc_end0:
.L_simem_size_0:
called_computation.1_lowered:
.L_overlay_start_0:
0x88: {  	s2 =	sld [smem:$0x3FD9]  }
0x89: {  	s3 =	sld [smem:$0x3FFE];
	_ =	sdelay $0x1  }
0x8a: {  	s1 =	srdreg.scid  }
0x8b: {  	s0 =	sand.u32 $0x1, s1  }
0x8c: {  	s17 =	sshll.u32 s0, $0xA;
	s2 =	sadd.s32 s3, s2  }
0x8d: {  	s2 =	sadd.s32 s2, s17  }
0x8e: {  	[smem:$0x3FC6] =	sst s2  }
0x8f: {  	_ = 	snop  }
0x90: {  	s2 =	sld [smem:$0x3FD0];
	(tm) =	ssettm $0x1  }
0x91: {  	s18 =	sld [smem:$0x3FFB];
	_ =	sdelay $0x3  }
0x92: {  	_ =	strace s18  }
0x93: {  	s3 =	sld [smem:$0x3FFC];
	_ =	sdelay $0x3  }
0x94: {  	_ =	strace s3  }
0x95: {  	s3 =	sld [smem:$0x3FFD];
	_ =	sdelay $0x3  }
0x96: {  	_ =	strace s3  }
0x97: {  	_ =	strace $0x8FFFFFFF  }
0x98: {  	s19 =	sld [smem:$0x3FDB];
	_ =	sdelay $0x1  }
0x99: {  	s4 =	simm.s32 $_scs_section_size  }
0x9a: {  	s5 =	simm.s32 $_size__tile_overlayer_lowered;
	s6 =	simm.s32 $_tile_overlayer_lowered  }
0x9b: {  	s22 =	simm.s32 $0x1BFF;
	s21 =	sshll.u32 s6, $0x1;
	s3 =	sadd.s32 s4, s19  }
0x9c: {  	s7 =	simm.s32 $0x0;
	s20 =	sshll.u32 s5, $0x1;
	s5 =	sadd.s32 s21, s3  }
0x9d: {  	[timem:s7], [sflag:s22] =	dma.local [hbm:s5], s20  }
0x9e: {  	_ =	swait.ge [sflag:s22], s20  }
0x9f: {  	s4 =	ssub.s32 $0x0, s20;
	[sflag:s22] =	ssyncset.done $0x0  }
0xa0: {  	[sflag:s22] =	ssyncadd.s32 s4;
	_ =	sdelay $0x1  }
0xa1: {  	s23 =	simm.s32 $0x1B8B  }
0xa2: {  	_ =	swait.ge [sflag:s23], $0x1  }
0xa3: {  	[sflag:s23] =	ssyncset.done $0x0  }
0xa4: {  	s25 =	simm.s32 $0x1B8E;
	s24 =	sld [smem:$0x3FFE];
	[sflag:s23] =	ssyncadd.s32 $0xFFFFFFFF  }
0xa5: {  	s26 =	simm.s32 $execute0_lowered;
	[smem:$0x3FD2] =	sst s25  }
0xa6: {  	s5 =	sshll.u32 s26, $0x1;
	_ =	strace $0x80000046;
	[dreg:$0x1] =	wrdreg $0xFFFFFFFF  }
0xa7: {  	s28 =	simm.s32 $_size_execute0_lowered;
	s3 =	sadd.s32 s3, s5;
	[dreg:$0x0] =	wrdreg $0x0  }
0xa8: {  	s5 =	sshll.u32 s28, $0x1;
	[dreg:$0x2] =	wrdreg s3  }
0xa9: {  	[dreg:$0x3] =	wrdreg s5  }
0xaa: {  	[dreg:$0x4] =	wrdreg $0xC0  }
0xab: {  	_ =	task [dreg:s7], $0x5FFFF  }
0xac: {  	[dreg:$0x1] =	wrdreg $0xFFFFFFFF  }
0xad: {  	[dreg:$0x0] =	wrdreg $0x60  }
0xae: {  	[dreg:$0x2] =	wrdreg s24  }
0xaf: {  	[dreg:$0x3] =	wrdreg s2  }
0xb0: {  	[dreg:$0x4] =	wrdreg $0x9  }
0xb1: {  	_ =	task.clear_ibuf [dreg:s7], $0x5FFFF;
	_ =	strace $0x90000046  }
0xb2: {  	s29 =	simm.s32 $0x9;
	_ =	strace $0x80000048  }
0xb3: {  	_ =	swait.ge [sflag:s29], $0x1  }
0xb4: {  	[sflag:s29] =	ssyncadd.s32 $0xFFFFFFFF  }
0xb5: {  	_ =	strace $0x90000048  }
0xb6: {  	_ =	sfence  }
0xb7: {  	s30 =	sld [smem:$0x0];
	_ =	sdelay $0x2  }
0xb8: {  	s31 =	sshll.u32 s1, $0xD;
	s1 =	sshrl.u32 s1, $0x2  }
0xb9: {  	s3 =	sand.u32 $0x4000, s31;
	s1 =	sadd.s32 s1, s30  }
0xba: {  	s0 =	sor.u32 s3, s0;
	s1 =	sshll.u32 s1, $0x11  }
0xbb: {  	s0 =	sor.u32 s1, s0  }
0xbc: {  	s0 =	sadd.s32 $0x8F2B, s0  }
0xbd: {  	[sflag:s0] =	ssyncadd.remote.s32 $0x1  }
0xbe: {  	_ =	sfence.sel $0xFFFF  }
0xbf: {  	[dreg:$0x0] =	wrdreg $0xFFFFFFFF;
	(pc) =	sbr.abs _section_cstart, $3  }
0xc0: {  	[dreg:$0x1] =	wrdreg $0xFFFFFFFF  }
0xc1: {  	_ =	task.clear_ibuf [dreg:s7], $0x2FFFF;
	_ =	strace $0x9FFFFFFF  }
0xc2: {  	(tm) =	ssettm $0x7FFFFFFF  }
0xc3: {  	_ =	shalt  }
tec
execute0_lowered:
.L_overlay_start_1:
0x0: {  	(tag) =	ssettag $0x1  }
0x1: {  	s1 =	srdreg.scid  }
0x2: {  	s0 =	stileid.u32;
	s3 =	rddreg [dreg:$0x0]  }
0x3: {  	s7 =	rddreg [dreg:$0x1];
	s11 =	simm.s32 $0x1;
	s12 =	simm.s32 $0x12C00  }
0x4: {  	s13 =	simm.s32 $0x9600;
	s14 =	simm.s32 $0xC800;
	s15 =	simm.s32 $0xFA00  }
0x5: {  	s16 =	simm.s32 $0x2;
	s17 =	simm.s32 $0x15E00;
	s18 =	simm.s32 $0x19000  }
0x6: {  	s19 =	simm.s32 $0x1C200;
	s20 =	simm.s32 $0x3;
	s21 =	simm.s32 $0x4  }
0x7: {  	s22 =	simm.s32 $0x0;
	s4 =	sand.u32 $0x1, s1;
	s5 =	smul.u32 $0xC800, s0  }
0x8: {  	s2 =	sshll.u32 s0, $0x1;
	s1 =	rddreg [dreg:$0x2];
	s6 =	smul.u32 $0x6400, s4  }
0x9: {  	s8 =	sor.u32 s4, s2;
	s2 =	simm.s32 $0x0;
	s4 =	ssub.s32 $0x2, s4  }
0xa: {  	s8 =	smul.u32 $0x6400, s8;
	[smem:$0x7FF] =	sst s2;
	s5 =	sadd.s32 s6, s5  }
0xb: {  	s9 =	sshrl.u32 s4, $0x1;
	s6 =	smulhi.u32 $0x147AE15, s5;
	s5 =	sor.u32 $0x320, s5  }
0xc: {  	_ =	strace $0x80000047;
	s31 =	ssub.s32 s4, s9;
	s5 =	smulhi.u32 $0x147AE15, s5  }
0xd: {  	s9 =	simm.s32 $0x320;
	s8 =	sshrl.u32 s8, $0x3;
	s6 =	smul.u32 $0x640, s6  }
0xe: {  	s8 =	sadd.s32 s8, s3;
	s3 =	sadd.s32 $0x19800, s3;
	s10 =	smul.u32 $0x640, s5  }
0xf: {  	s4 =	sadd.s32 $0x800, s8;
	s8 =	simm.s32 $0x5;
	s5 =	smax.u32 s31, $0x1  }
0x10: {  	s6 =	sadd.s32 s6, s7;
	s7 =	sadd.s32 s10, s7;
	s10 =	simm.s32 $0x6400  }
.LBB2_1:
0x11: {  	[tilespmem:s2], [sflag:$0x5] =	stream.linear.gather [hbm4b:s4+s2], $0x6400, $0x38;
	[tilespmem:$0x1F400] =	vst v63  }
0x12: {  	_ =	swait.ge [sflag:s8], $0x6400  }
0x13: {  	[sflag:s8] =	ssyncset.done $0x0  }
0x14: {  	[sflag:s8] =	ssyncadd.s32 $0xFFFF9C00  }
0x15: {  	[tilespmem:s10], [sflag:$0x1] =	stream.indirect.gather [hbm4b:s3+s9], $0x40, s2, s9, $0xb8;
	[tilespmem:$0x1F400] =	vst v63  }
0x16: {  	_ =	swait.ge [sflag:s11], $0xC800  }
0x17: {  	p0 =	por $0x1, $0x1;
	[sflag:s11] =	ssyncset.done $0x0  }
0x18: {  	s23 =	simm.s32 @!p0 $0x4;
	[sflag:s11] =	ssyncadd.s32 $0xFFFF3800  }
0x19: {  	_ =	swait.ge @!p0 [sflag:s23], $0x3200  }
0x1a: {  	[sflag:s23] =	ssyncset.done @!p0 $0x0  }
0x1b: {  	[sflag:s23] =	ssyncadd.s32 @!p0 $0xFFFFCE00  }
0x1c: {  	_ =	swait.ge @!p0 [sflag:s23], $0x3200  }
0x1d: {  	[sflag:s23] =	ssyncset.done @!p0 $0x0  }
0x1e: {  	[sflag:s23] =	ssyncadd.s32 @!p0 $0xFFFFCE00  }
0x1f: {  	_ =	swait.ge @!p0 [sflag:s23], $0x3200  }
0x20: {  	[sflag:s23] =	ssyncset.done @!p0 $0x0  }
0x21: {  	[sflag:s23] =	ssyncadd.s32 @!p0 $0xFFFFCE00  }
0x22: {  	_ =	swait.ge @!p0 [sflag:s23], $0x3200  }
0x23: {  	[sflag:s23] =	ssyncset.done @!p0 $0x0  }
0x24: {  	s25 =	simm.s32 $0x320;
	[sflag:s23] =	ssyncadd.s32 @!p0 $0xFFFFCE00  }
0x25: {  	[tilespmem:s12], [sflag:$0x2] =	stream.indirect.gather [hbm4b:s3+s9], $0x40, s25, s9, $0xb8;
	[tilespmem:$0x1F400] =	vst v63  }
0x26: {  	s26 =	sadd.s32 $0x0, s6  }
0x27: {  	[hbm4b:s26+s2] =	stream.linear.scatter [tilespmem:s10], [sflag:$0x3], $0x3200, $0x38;
	[tilespmem:$0x1F400] =	vst v63  }
0x28: {  	s24 =	sadd.s32 $0x640, s26  }
0x29: {  	[hbm4b:s24+s2] =	stream.linear.scatter [tilespmem:s13], [sflag:$0x3], $0x3200, $0x38;
	[tilespmem:$0x1F400] =	vst v63  }
0x2a: {  	s28 =	sadd.s32 $0xC80, s26  }
0x2b: {  	[hbm4b:s28+s2] =	stream.linear.scatter [tilespmem:s14], [sflag:$0x3], $0x3200, $0x38;
	[tilespmem:$0x1F400] =	vst v63  }
0x2c: {  	s23 =	sadd.s32 $0x12C0, s26  }
0x2d: {  	[hbm4b:s23+s2] =	stream.linear.scatter [tilespmem:s15], [sflag:$0x3], $0x3200, $0x38;
	[tilespmem:$0x1F400] =	vst v63  }
0x2e: {  	_ =	swait.ge [sflag:s16], $0xC800  }
0x2f: {  	p0 =	por $0x0, $0x0;
	[sflag:s16] =	ssyncset.done $0x0  }
0x30: {  	s23 =	simm.s32 @!p0 $0x3;
	[sflag:s16] =	ssyncadd.s32 $0xFFFF3800  }
0x31: {  	_ =	swait.ge @!p0 [sflag:s23], $0x3200  }
0x32: {  	[sflag:s23] =	ssyncset.done @!p0 $0x0  }
0x33: {  	[sflag:s23] =	ssyncadd.s32 @!p0 $0xFFFFCE00  }
0x34: {  	_ =	swait.ge @!p0 [sflag:s23], $0x3200  }
0x35: {  	[sflag:s23] =	ssyncset.done @!p0 $0x0  }
0x36: {  	[sflag:s23] =	ssyncadd.s32 @!p0 $0xFFFFCE00  }
0x37: {  	_ =	swait.ge @!p0 [sflag:s23], $0x3200  }
0x38: {  	[sflag:s23] =	ssyncset.done @!p0 $0x0  }
0x39: {  	[sflag:s23] =	ssyncadd.s32 @!p0 $0xFFFFCE00  }
0x3a: {  	_ =	swait.ge @!p0 [sflag:s23], $0x3200  }
0x3b: {  	s25 =	simm.s32 @!p0 $0x6400;
	[sflag:s23] =	ssyncset.done @!p0 $0x0  }
0x3c: {  	s24 =	simm.s32 $0x640;
	[sflag:s23] =	ssyncadd.s32 @!p0 $0xFFFFCE00;
	s23 =	simm.s32 @!p0 $0x320  }
0x3d: {  	[tilespmem:s25], [sflag:$0x1] =	stream.indirect.gather @!p0 [hbm4b:s3+s23], $0x40, s24, s23, $0xb8;
	[tilespmem:$0x1F400] =	vst v63  }
0x3e: {  	s29 =	sadd.s32 $0x0, s7  }
0x3f: {  	[hbm4b:s29+s2] =	stream.linear.scatter [tilespmem:s12], [sflag:$0x4], $0x3200, $0x38;
	[tilespmem:$0x1F400] =	vst v63  }
0x40: {  	s30 =	sadd.s32 $0x640, s29;
	s31 =	sadd.s32 $0xC80, s29  }
0x41: {  	[hbm4b:s30+s2] =	stream.linear.scatter [tilespmem:s17], [sflag:$0x4], $0x3200, $0x38;
	[tilespmem:$0x1F400] =	vst v63  }
0x42: {  	s23 =	simm.s32 $0x3200;
	s25 =	sadd.s32 $0x12C0, s29;
	s24 =	simm.s32 $0xC80  }
0x43: {  	[hbm4b:s31+s2] =	stream.linear.scatter [tilespmem:s18], [sflag:$0x4], $0x3200, $0x38;
	[tilespmem:$0x1F400] =	vst v63  }
.LBB2_2:
0x44: {  	[hbm4b:s25+s2] =	stream.linear.scatter [tilespmem:s19], [sflag:$0x4], $0x3200, $0x38;
	[tilespmem:$0x1F400] =	vst v63  }
0x45: {  	s25 =	smov.u32 s23;
	s23 =	sadd.s32 $0x3200, s23;
	_ =	swait.ge [sflag:s11], $0xC800  }
0x46: {  	p1 =	seq.s32 s25, $0x0;
	p0 =	sne.s32 s23, $0x32000;
	[sflag:s11] =	ssyncset.done $0x0  }
0x47: {  	s26 =	simm.s32 @!p1 $0x4;
	[sflag:s11] =	ssyncadd.s32 $0xFFFF3800  }
0x48: {  	_ =	swait.ge @!p1 [sflag:s26], $0x3200  }
0x49: {  	[sflag:s26] =	ssyncset.done @!p1 $0x0  }
0x4a: {  	[sflag:s26] =	ssyncadd.s32 @!p1 $0xFFFFCE00  }
0x4b: {  	_ =	swait.ge @!p1 [sflag:s26], $0x3200  }
0x4c: {  	[sflag:s26] =	ssyncset.done @!p1 $0x0  }
0x4d: {  	[sflag:s26] =	ssyncadd.s32 @!p1 $0xFFFFCE00  }
0x4e: {  	_ =	swait.ge @!p1 [sflag:s26], $0x3200  }
0x4f: {  	[sflag:s26] =	ssyncset.done @!p1 $0x0  }
0x50: {  	[sflag:s26] =	ssyncadd.s32 @!p1 $0xFFFFCE00  }
0x51: {  	_ =	swait.ge @!p1 [sflag:s26], $0x3200  }
0x52: {  	[sflag:s26] =	ssyncset.done @!p1 $0x0  }
0x53: {  	[sflag:s26] =	ssyncadd.s32 @!p1 $0xFFFFCE00;
	s26 =	sadd.s32 $0xFFFFFCE0, s24  }
0x54: {  	[tilespmem:s12], [sflag:$0x2] =	stream.indirect.gather [hbm4b:s3+s9], $0x40, s26, s9, $0xb8;
	[tilespmem:$0x1F400] =	vst v63  }
0x55: {  	s26 =	sadd.s32 s25, s6  }
0x56: {  	[hbm4b:s26+s2] =	stream.linear.scatter [tilespmem:s10], [sflag:$0x3], $0x3200, $0x38;
	[tilespmem:$0x1F400] =	vst v63  }
0x57: {  	s28 =	sadd.s32 $0x640, s26  }
0x58: {  	[hbm4b:s28+s2] =	stream.linear.scatter [tilespmem:s13], [sflag:$0x3], $0x3200, $0x38;
	[tilespmem:$0x1F400] =	vst v63  }
0x59: {  	s28 =	sadd.s32 $0xC80, s26  }
0x5a: {  	[hbm4b:s28+s2] =	stream.linear.scatter [tilespmem:s14], [sflag:$0x3], $0x3200, $0x38;
	[tilespmem:$0x1F400] =	vst v63  }
0x5b: {  	s26 =	sadd.s32 $0x12C0, s26  }
0x5c: {  	[hbm4b:s26+s2] =	stream.linear.scatter [tilespmem:s15], [sflag:$0x3], $0x3200, $0x38;
	[tilespmem:$0x1F400] =	vst v63  }
0x5d: {  	_ =	swait.ge [sflag:s16], $0xC800  }
0x5e: {  	p1 =	seq.s32 s25, $0x2EE00;
	[sflag:s16] =	ssyncset.done $0x0  }
0x5f: {  	s26 =	simm.s32 @!p1 $0x3;
	[sflag:s16] =	ssyncadd.s32 $0xFFFF3800  }
0x60: {  	_ =	swait.ge @!p1 [sflag:s26], $0x3200  }
0x61: {  	[sflag:s26] =	ssyncset.done @!p1 $0x0  }
0x62: {  	[sflag:s26] =	ssyncadd.s32 @!p1 $0xFFFFCE00  }
0x63: {  	_ =	swait.ge @!p1 [sflag:s26], $0x3200  }
0x64: {  	[sflag:s26] =	ssyncset.done @!p1 $0x0  }
0x65: {  	[sflag:s26] =	ssyncadd.s32 @!p1 $0xFFFFCE00  }
0x66: {  	_ =	swait.ge @!p1 [sflag:s26], $0x3200  }
0x67: {  	[sflag:s26] =	ssyncset.done @!p1 $0x0  }
0x68: {  	[sflag:s26] =	ssyncadd.s32 @!p1 $0xFFFFCE00  }
0x69: {  	_ =	swait.ge @!p1 [sflag:s26], $0x3200  }
0x6a: {  	[sflag:s26] =	ssyncset.done @!p1 $0x0  }
0x6b: {  	s28 =	simm.s32 @!p1 $0x6400;
	[sflag:s26] =	ssyncadd.s32 @!p1 $0xFFFFCE00;
	s26 =	simm.s32 @!p1 $0x320  }
0x6c: {  	[tilespmem:s28], [sflag:$0x1] =	stream.indirect.gather @!p1 [hbm4b:s3+s26], $0x40, s24, s26, $0xb8;
	[tilespmem:$0x1F400] =	vst v63  }
0x6d: {  	s25 =	sadd.s32 s25, s7  }
0x6e: {  	[hbm4b:s25+s2] =	stream.linear.scatter [tilespmem:s12], [sflag:$0x4], $0x3200, $0x38;
	[tilespmem:$0x1F400] =	vst v63  }
.Ltmp0:
0x6f: {  	s26 =	sadd.s32 $0x640, s25;
	(pc) =	sbr.rel @p0 .LBB2_2-.Ltmp0, $4  }
0x70: {  	[hbm4b:s26+s2] =	stream.linear.scatter [tilespmem:s17], [sflag:$0x4], $0x3200, $0x38;
	[tilespmem:$0x1F400] =	vst v63  }
0x71: {  	s26 =	sadd.s32 $0xC80, s25  }
0x72: {  	[hbm4b:s26+s2] =	stream.linear.scatter [tilespmem:s18], [sflag:$0x4], $0x3200, $0x38;
	[tilespmem:$0x1F400] =	vst v63  }
0x73: {  	s24 =	sadd.s32 $0x640, s24;
	s25 =	sadd.s32 $0x12C0, s25  }
0x74: {  	[hbm4b:s25+s2] =	stream.linear.scatter [tilespmem:s19], [sflag:$0x4], $0x3200, $0x38;
	[tilespmem:$0x1F400] =	vst v63  }
0x75: {  	_ =	swait.ge [sflag:s20], $0x3200  }
0x76: {  	[sflag:s20] =	ssyncset.done $0x0  }
0x77: {  	[sflag:s20] =	ssyncadd.s32 $0xFFFFCE00  }
0x78: {  	_ =	swait.ge [sflag:s20], $0x3200  }
0x79: {  	[sflag:s20] =	ssyncset.done $0x0  }
0x7a: {  	[sflag:s20] =	ssyncadd.s32 $0xFFFFCE00  }
0x7b: {  	_ =	swait.ge [sflag:s20], $0x3200  }
0x7c: {  	[sflag:s20] =	ssyncset.done $0x0  }
0x7d: {  	[sflag:s20] =	ssyncadd.s32 $0xFFFFCE00  }
0x7e: {  	_ =	swait.ge [sflag:s20], $0x3200  }
0x7f: {  	[sflag:s20] =	ssyncset.done $0x0  }
0x80: {  	[sflag:s20] =	ssyncadd.s32 $0xFFFFCE00  }
0x81: {  	_ =	swait.ge [sflag:s21], $0x3200  }
0x82: {  	[sflag:s21] =	ssyncset.done $0x0  }
0x83: {  	[sflag:s21] =	ssyncadd.s32 $0xFFFFCE00  }
0x84: {  	_ =	swait.ge [sflag:s21], $0x3200  }
0x85: {  	[sflag:s21] =	ssyncset.done $0x0  }
0x86: {  	s22 =	sadd.s32 $0x1, s22;
	[sflag:s21] =	ssyncadd.s32 $0xFFFFCE00  }
0x87: {  	p0 =	sne.s32 s22, s5;
	_ =	swait.ge [sflag:s21], $0x3200  }
.Ltmp1:
0x88: {  	[sflag:s21] =	ssyncset.done $0x0;
	(pc) =	sbr.rel @p0 .LBB2_1-.Ltmp1, $4  }
0x89: {  	[sflag:s21] =	ssyncadd.s32 $0xFFFFCE00  }
0x8a: {  	_ =	swait.ge [sflag:s21], $0x3200  }
0x8b: {  	[sflag:s21] =	ssyncset.done $0x0  }
0x8c: {  	[sflag:s21] =	ssyncadd.s32 $0xFFFFCE00  }
0x8d: {  	_ =	sfence.sel $0x180000  }
0x8e: {  	[bflag:$0x0] =	sbarrier.arrive $0xFFFF  }
0x8f: {  	p0 =	sne.s32 s0, $0x0;
	_ =	strace $0x90000047  }
0x90: {  	s0 =	sadd.s32 @!p0 $0x100000, s1;
	[bflag:$0x2] =	sbarrier.arrive $0xFFFF  }
0x91: {  	[sflag:s0] =	ssyncadd.tile.s32 @!p0 $0x1;
	_ =	shalt  }
.Lfunc_end2:
_tile_overlayer_lowered:
.L_overlay_start_2:
0x92: {  	(tag) =	ssettag $0x2  }
0x93: {  	s0 =	rddreg [dreg:$0x0];
	s2 =	stileid.u32  }
0x94: {  	s1 =	rddreg [dreg:$0x1];
	p0 =	sne.s32 s2, $0x0  }
0x95: {  	s3 =	rddreg [dreg:$0x2];
	[bflag:$0x3] =	sbarrier.arrive $0xFFFF;
	s2 =	simm.s32 @!p0 $0x1C05  }
0x96: {  	[timem:s3], [sflag:s2] =	dma.local @!p0 [hbm:s0], s1  }
0x97: {  	s0 =	simm.s32 @!p0 $0x5  }
0x98: {  	_ =	swait.ge @!p0 [sflag:s0], s1  }
0x99: {  	s1 =	ssub.s32 @!p0 $0x0, s1;
	[sflag:s0] =	ssyncset.done @!p0 $0x0  }
0x9a: {  	[sflag:s0] =	ssyncadd.s32 @!p0 s1  }
0x9b: {  	[bflag:$0x3] =	sbarrier.arrive $0xFFFF  }
0x9c: {  	_ =	shalt  }

// kernel: sparse-core-data-format-call.cloned.1.call-start
scs
called_computation_lowered:
.L_overlay_start_0:
0x0: {  	s2 =	sld [smem:$0x3FD9]  }
0x1: {  	s3 =	sld [smem:$0x3FFE];
	_ =	sdelay $0x1  }
0x2: {  	s1 =	srdreg.scid  }
0x3: {  	s0 =	sand.u32 $0x1, s1  }
0x4: {  	s18 =	sshll.u32 s0, $0xA;
	s2 =	sadd.s32 s3, s2  }
0x5: {  	s2 =	sadd.s32 s2, s18  }
0x6: {  	[smem:$0x3FC6] =	sst s2  }
0x7: {  	_ = 	snop  }
0x8: {  	s2 =	sld [smem:$0x3FD0];
	(tm) =	ssettm $0x1  }
0x9: {  	s19 =	sld [smem:$0x3FFB];
	_ =	sdelay $0x3  }
0xa: {  	_ =	strace s19  }
0xb: {  	s3 =	sld [smem:$0x3FFC];
	_ =	sdelay $0x3  }
0xc: {  	_ =	strace s3  }
0xd: {  	s3 =	sld [smem:$0x3FFD];
	_ =	sdelay $0x3  }
0xe: {  	_ =	strace s3  }
0xf: {  	_ =	strace $0x8FFFFFFF  }
0x10: {  	s20 =	sld [smem:$0x3FDB];
	_ =	sdelay $0x1  }
0x11: {  	s4 =	simm.s32 $_scs_section_size  }
0x12: {  	s5 =	simm.s32 $_size__tile_overlayer_lowered;
	s6 =	simm.s32 $_tile_overlayer_lowered  }
0x13: {  	s23 =	simm.s32 $0x1BFF;
	s22 =	sshll.u32 s6, $0x1;
	s3 =	sadd.s32 s4, s20  }
0x14: {  	s7 =	simm.s32 $0x0;
	s21 =	sshll.u32 s5, $0x1;
	s5 =	sadd.s32 s22, s3  }
0x15: {  	[timem:s7], [sflag:s23] =	dma.local [hbm:s5], s21  }
0x16: {  	_ =	swait.ge [sflag:s23], s21  }
0x17: {  	s4 =	ssub.s32 $0x0, s21;
	[sflag:s23] =	ssyncset.done $0x0  }
0x18: {  	[sflag:s23] =	ssyncadd.s32 s4;
	_ =	sdelay $0x1  }
0x19: {  	s24 =	simm.s32 $0x1B8B  }
0x1a: {  	_ =	swait.ge [sflag:s24], $0x1  }
0x1b: {  	[sflag:s24] =	ssyncset.done $0x0  }
0x1c: {  	s26 =	simm.s32 $0x1B8E;
	s25 =	sld [smem:$0x3FFE];
	[sflag:s24] =	ssyncadd.s32 $0xFFFFFFFF  }
0x1d: {  	s27 =	simm.s32 $execute0_lowered;
	[smem:$0x3FD2] =	sst s26  }
0x1e: {  	s5 =	sshll.u32 s27, $0x1;
	_ =	strace $0x80000049;
	[dreg:$0x1] =	wrdreg $0xFFFFFFFF  }
0x1f: {  	s28 =	simm.s32 $_size_execute0_lowered;
	s3 =	sadd.s32 s3, s5;
	[dreg:$0x0] =	wrdreg $0x0  }
0x20: {  	s5 =	sshll.u32 s28, $0x1;
	[dreg:$0x2] =	wrdreg s3  }
0x21: {  	[dreg:$0x3] =	wrdreg s5  }
0x22: {  	[dreg:$0x4] =	wrdreg $0xC0  }
0x23: {  	_ =	task [dreg:s7], $0x5FFFF  }
0x24: {  	[dreg:$0x1] =	wrdreg $0xFFFFFFFF  }
0x25: {  	[dreg:$0x0] =	wrdreg $0x60  }
0x26: {  	[dreg:$0x2] =	wrdreg s25  }
0x27: {  	[dreg:$0x3] =	wrdreg s2  }
0x28: {  	[dreg:$0x4] =	wrdreg $0x9  }
0x29: {  	_ =	task.clear_ibuf [dreg:s7], $0x5FFFF;
	_ =	strace $0x90000049  }
0x2a: {  	s29 =	simm.s32 $0x9;
	_ =	strace $0x8000004B  }
0x2b: {  	_ =	swait.ge [sflag:s29], $0x1  }
0x2c: {  	[sflag:s29] =	ssyncadd.s32 $0xFFFFFFFF  }
0x2d: {  	_ =	strace $0x9000004B  }
0x2e: {  	_ =	sfence  }
0x2f: {  	s30 =	sld [smem:$0x0];
	_ =	sdelay $0x2  }
0x30: {  	s31 =	sshll.u32 s1, $0xD;
	s1 =	sshrl.u32 s1, $0x2  }
0x31: {  	s3 =	sand.u32 $0x4000, s31;
	s1 =	sadd.s32 s1, s30  }
0x32: {  	s0 =	sor.u32 s3, s0;
	s1 =	sshll.u32 s1, $0x11  }
0x33: {  	s0 =	sor.u32 s1, s0  }
0x34: {  	s0 =	sadd.s32 $0x8F2B, s0  }
0x35: {  	[sflag:s0] =	ssyncadd.remote.s32 $0x1  }
0x36: {  	_ =	sfence.sel $0xFFFF  }
0x37: {  	[dreg:$0x0] =	wrdreg $0xFFFFFFFF;
	(pc) =	sbr.abs _section_cstart, $3  }
0x38: {  	[dreg:$0x1] =	wrdreg $0xFFFFFFFF  }
0x39: {  	_ =	task.clear_ibuf [dreg:s7], $0x2FFFF;
	_ =	strace $0x9FFFFFFF  }
0x3a: {  	(tm) =	ssettm $0x7FFFFFFF  }
0x3b: {  	_ =	shalt  }
tec
execute0_lowered:
.L_overlay_start_1:
0x0: {  	(tag) =	ssettag $0x1  }
0x1: {  	s0 =	srdreg.scid  }
0x2: {  	s1 =	sshll.u32 s0, $0x4  }
0x3: {  	s0 =	stileid.u32;
	s1 =	sand.u32 $0x10, s1  }
0x4: {  	s1 =	sor.u32 s0, s1  }
0x5: {  	s6 =	rddreg [dreg:$0x0];
	s4 =	simm.s32 $0x1;
	s2 =	sshll.u32 s1, $0x7  }
0x6: {  	s7 =	simm.s32 $0x2;
	s12 =	simm.s32 $0x0;
	s1 =	ssub.s32 $0x1000, s2  }
0x7: {  	s8 =	simm.s32 $0x8000;
	s13 =	simm.s32 $0x0;
	s3 =	sand.u32 $0xF80, s1  }
0x8: {  	s9 =	simm.s32 $0x0;
	s5 =	sshrl.u32 s1, $0xC;
	p0 =	sne.s32 s3, $0x0  }
.Ltmp0:
0x9: {  	s1 =	rddreg [dreg:$0x2];
	s4 =	simm.s32 @!p0 $0x0;
	(pc) =	sbr.rel .LBB1_1-.Ltmp0, $4  }
0xa: {  	s11 =	simm.s32 $0x0;
	s3 =	rddreg [dreg:$0x1];
	s5 =	sadd.s32 s4, s5  }
0xb: {  	_ =	strace $0x8000004A;
	s4 =	simm.s32 $0x1;
	s5 =	smul.u32 $0xC8, s5  }
0xc: {  	s6 =	sadd.s32 $0x800, s6;
	s10 =	smov.u32 s2;
	[sflag:s4] =	ssyncpa.u1 $0x0  }
0xd: {  	p0 =	por $0x0, $0x0;
	[sflag:s7] =	ssyncpa.u1 $0x0;
	s7 =	sor.u32 $0x1, s5  }
.LBB1_4:
0xe: {  	s16 =	sshll.u32 s13, $0x3;
	s17 =	sand.u32 $0x78, s13  }
0xf: {  	s30 =	sand.u32 $0x7E00, s13;
	s12 =	sshll.u32 s12, $0xF;
	s16 =	sand.u32 $0xC00, s16  }
0x10: {  	[tilespmem:s15+$0x810 ss:$0x81] =	vst.msk $0xffff, v2;
	s31 =	sand.u32 $0x7, s13;
	s16 =	sor.u32 s17, s16;
	s17 =	sadd.s32 s3, s30  }
0x11: {  	[tilespmem:s15+$0x1020 ss:$0x81] =	vst.msk $0xffff, v0;
	s13 =	sshll.u32 s31, $0x12;
	s12 =	sadd.s32 s12, s17;
	s16 =	sshrl.u32 s16, $0x3  }
0x12: {  	[tilespmem:s15+$0x0 ss:$0x81] =	vst.msk $0xffff, v1;
	s13 =	sor.u32 $0x400, s13;
	s12 =	sadd.s32 s16, s12  }
0x13: {  	[hbm4b:s12+s13] =	stream.strided.scatter [tilespmem:s14], [sflag:$0x2], $0x2000, s8, s13, $0x20;
	[tilespmem:$0x8080] =	vst v63  }
.LBB1_5:
0x14: {  	s14 =	sadd.s32 $0x1, s9  }
0x15: {  	s12 =	sadd.s32 $0x1000, s10;
	s16 =	smov.u32 s10;
	p2 =	sgt.s32 s14, $0xC7  }
0x16: {  	s16 =	smov.u32 @p2 s12  }
0x17: {  	s14 =	simm.s32 @p2 $0x0;
	p2 =	sgt.s32 s16, $0xFFF  }
0x18: {  	s16 =	smov.u32 @p2 s2;
	p2 =	sne.s32 s11, s7  }
.Ltmp1:
0x19: {  	p1 =	slt.u32 s11, $0x2;
	(pc) =	sbr.rel @!p2 .LBB1_6-.Ltmp1, $4  }
0x1a: {  	s15 =	simm.s32 @!p1 $0x2  }
0x1b: {  	s13 =	smov.u32 s10;
	p0 =	por !p0, !p0;
	_ =	swait.ge @!p1 [sflag:s15], $0x2000  }
0x1c: {  	s12 =	smov.u32 s9;
	[sflag:s15] =	ssyncset.done @!p1 $0x0;
	s9 =	smov.u32 s14  }
0x1d: {  	s11 =	sadd.s32 $0x1, s11;
	[sflag:s15] =	ssyncadd.s32 @!p1 $0xFFFFE000;
	s10 =	smov.u32 s16  }
.LBB1_1:
0x1e: {  	p1 =	sge.u32 s11, s5  }
0x1f: {  	s14 =	sand.u32 @!p1 $0x1FFFFFF, s9  }
0x20: {  	s15 =	smulhi.u32 @!p1 $0x147AE15, s14;
	_ =	sdelay $0x1  }
0x21: {  	s15 =	smul.u32 @!p1 $0xC8, s15  }
0x22: {  	s16 =	sxor.u32 @!p1 $0xFFFFFFFF, s11;
	s17 =	smul.u32 @!p1 $0xC80, s10  }
0x23: {  	s31 =	sadd.s32 $0xFFFFFFFF, s11;
	s16 =	sshll.u32 @!p1 s16, $0xD;
	s14 =	ssub.s32 @!p1 s14, s15  }
0x24: {  	s15 =	sand.u32 @!p1 $0x2000, s16;
	s16 =	sadd.s32 @!p1 s6, s17;
	s14 =	sshll.u32 @!p1 s14, $0x4  }
0x25: {  	s17 =	simm.s32 @!p1 $0x6400;
	s14 =	sadd.s32 @!p1 s14, s16;
	s16 =	simm.s32 @!p1 $0x40  }
0x26: {  	[tilespmem:s15], [sflag:$0x1] =	stream.strided.gather @!p1 [hbm4b:s14+s16], $0x2000, s17, s16, $0x38;
	[tilespmem:$0x8080] =	vst v63  }
0x27: {  	p1 =	sge.u32 s31, s5  }
.Ltmp2:
0x28: {  	_ = 	snop;
	(pc) =	sbr.rel @p1 .LBB1_5-.Ltmp2, $1  }
0x29: {  	_ =	sdelay $0x3  }
0x2a: {  	s14 =	simm.s32 $0x1  }
0x2b: {  	_ =	swait.ge [sflag:s4], $0x2000;
	s14 =	simm.s32 @!p0 $0x0  }
0x2c: {  	[sflag:s4] =	ssyncset.done $0x0;
	s15 =	sshll.u32 s14, $0xD  }
0x2d: {  	[sflag:s4] =	ssyncadd.s32 $0xFFFFE000;
	s18 =	sor.u32 $0x20, s15  }
0x2e: {  	s14 =	smul.u32 $0x8100, s14;
	v3 =	vld [tilespmem:s18+$0x10]  }
0x2f: {  	s30 =	sand.u32 $0x1, s11;
	v2 =	vld [tilespmem:s18+$0xFFFFFFF0]  }
0x30: {  	s15 =	smul.u32 $0x8100, s30;
	s14 =	sshrl.u32 s14, $0x2;
	v0 =	vld [tilespmem:s18+$0x0]  }
0x31: {  	v1 =	vld [tilespmem:s18+$0xFFFFFFE0];
	s16 =	sor.u32 $0x4000, s14  }
0x32: {  	s31 =	sshrl.u32 s15, $0x2;
	s15 =	sadd.s32 $0x0, s16  }
0x33: {  	s17 =	simm.s32 $0x4;
	s18 =	sadd.s32 $0x40, s18;
	s14 =	sor.u32 $0x4000, s31;
	[tilespmem:s15+$0x1830 ss:$0x81] =	vst.msk $0xffff, v3  }
.LBB1_3:
0x34: {  	v3 =	vld [tilespmem:s18+$0x10];
	p1 =	sne.s32 s17, $0x1FC;
	[tilespmem:s15+$0x810 ss:$0x81] =	vst.msk $0xffff, v2;
	s19 =	smov.u32 s17;
	s17 =	sadd.s32 $0x4, s17  }
.Ltmp3:
0x35: {  	v2 =	vld [tilespmem:s18+$0xFFFFFFF0];
	[tilespmem:s15+$0x1020 ss:$0x81] =	vst.msk $0xffff, v0;
	(pc) =	sbr.rel @p1 .LBB1_3-.Ltmp3, $4  }
0x36: {  	v0 =	vld [tilespmem:s18+$0x0];
	[tilespmem:s15+$0x0 ss:$0x81] =	vst.msk $0xffff, v1  }
0x37: {  	s15 =	sshra.s32 s19, $0x2;
	v1 =	vld [tilespmem:s18+$0xFFFFFFE0]  }
0x38: {  	s15 =	sadd.s32 s15, s16  }
0x39: {  	s18 =	sadd.s32 $0x40, s18;
	[tilespmem:s15+$0x1830 ss:$0x81] =	vst.msk $0xffff, v3  }
.Ltmp4:
0x3a: {  	_ = 	snop;
	(pc) =	sbr.rel .LBB1_4-.Ltmp4, $1  }
0x3b: {  	_ =	sdelay $0x3  }
.LBB1_6:
0x3c: {  	_ =	sfence.sel $0x180000  }
0x3d: {  	s2 =	simm.s32 $0x1;
	[bflag:$0x0] =	sbarrier.arrive $0xFFFF  }
0x3e: {  	s31 =	simm.s32 $0x2;
	[sflag:s2] =	ssyncpa.u1 $0x1  }
0x3f: {  	[sflag:s31] =	ssyncpa.u1 $0x1  }
0x40: {  	p0 =	sne.s32 s0, $0x0;
	_ =	strace $0x9000004A  }
0x41: {  	s0 =	sadd.s32 @!p0 $0x100000, s1;
	[bflag:$0x2] =	sbarrier.arrive $0xFFFF  }
0x42: {  	[sflag:s0] =	ssyncadd.tile.s32 @!p0 $0x1;
	_ =	shalt  }
.Lfunc_end1:
_tile_overlayer_lowered:
.L_overlay_start_2:
0x43: {  	(tag) =	ssettag $0x2  }
0x44: {  	s0 =	rddreg [dreg:$0x0];
	s2 =	stileid.u32  }
0x45: {  	s1 =	rddreg [dreg:$0x1];
	p0 =	sne.s32 s2, $0x0  }
0x46: {  	s3 =	rddreg [dreg:$0x2];
	[bflag:$0x3] =	sbarrier.arrive $0xFFFF;
	s2 =	simm.s32 @!p0 $0x1C01  }
0x47: {  	[timem:s3], [sflag:s2] =	dma.local @!p0 [hbm:s0], s1  }
0x48: {  	s0 =	simm.s32 @!p0 $0x1  }
0x49: {  	_ =	swait.ge @!p0 [sflag:s0], s1  }
0x4a: {  	s1 =	ssub.s32 @!p0 $0x0, s1;
	[sflag:s0] =	ssyncset.done @!p0 $0x0  }
0x4b: {  	[sflag:s0] =	ssyncadd.s32 @!p0 s1  }
0x4c: {  	[bflag:$0x3] =	sbarrier.arrive $0xFFFF  }
0x4d: {  	_ =	shalt  }

</sc_bundles>
